<compile_context>
chip_gen: v7x
topology: tpu7x:2x2x1
jax: 0.10.2.dev20260603
libtpu: 0.0.44.dev20260713+nightly
codegen_flags: <defaults>
</compile_context>

<pallas_src>
import dataclasses

import jax
import jax.numpy as jnp
from jax import lax
from jax.experimental import pallas as pl
from jax.experimental.pallas import tpu as pltpu
from jax.experimental.pallas import tpu_sc as plsc

BS, NA, NH = 1024, 16, 26
VOCAB, D = 100000, 32
NUM_IDX = BS * NA * NH

NC, NS = 2, 16
NW = NC * NS
PER_W = NUM_IDX // NW
CHUNK = 128
N_CHUNK = PER_W // CHUNK


def kernel(prev_act, tables):
    flat_tables = tables.reshape(NH * VOCAB, D)
    offs = jnp.arange(NH, dtype=jnp.int32) * VOCAB
    g = (prev_act.reshape(BS * NA, NH) + offs[None, :]).reshape(
        NW, N_CHUNK, CHUNK
    )

    mesh = plsc.VectorSubcoreMesh(core_axis_name="c", subcore_axis_name="s")
    cp = pltpu.CompilerParams(use_tc_tiling_on_sc=False)
    if "needs_layout_passes" in pltpu.CompilerParams.__dataclass_fields__:
        cp = dataclasses.replace(cp, needs_layout_passes=False)

    @pl.kernel(
        out_type=jax.ShapeDtypeStruct((NUM_IDX, D), jnp.float32),
        mesh=mesh,
        compiler_params=cp,
        scratch_types=[
            pltpu.VMEM((4, 1, CHUNK), jnp.int32),
            pltpu.VMEM((2, CHUNK, D), jnp.float32),
            pltpu.SemaphoreType.DMA,
            pltpu.SemaphoreType.DMA,
            pltpu.SemaphoreType.DMA,
            pltpu.SemaphoreType.DMA,
            pltpu.SemaphoreType.DMA,
            pltpu.SemaphoreType.DMA,
            pltpu.SemaphoreType.DMA,
            pltpu.SemaphoreType.DMA,
        ],
    )
    def gather_kernel(table_hbm, g_hbm, out_hbm, idx_v, out_v,
                      isem0, isem1, isem2, isem3, gsem0, gsem1, wsem0, wsem1):
        isems = (isem0, isem1, isem2, isem3)
        gsems = (gsem0, gsem1)
        wsems = (wsem0, wsem1)
        wid = lax.axis_index("s") * NC + lax.axis_index("c")
        base = wid * PER_W

        def istart(c, r):
            pltpu.async_copy(g_hbm.at[wid, c], idx_v.at[r, 0], isems[r])

        def iwait(r):
            pltpu.make_async_copy(
                g_hbm.at[wid, 0], idx_v.at[r, 0], isems[r]
            ).wait()

        def gstart(r, b):
            pltpu.async_copy(
                table_hbm.at[idx_v.at[r, 0]], out_v.at[b], gsems[b]
            )

        def gwait(b):
            pltpu.make_async_copy(
                table_hbm.at[idx_v.at[0, 0]], out_v.at[b], gsems[b]
            ).wait()

        def wstart(c, b):
            pltpu.async_copy(
                out_v.at[b], out_hbm.at[pl.ds(base + c * CHUNK, CHUNK)],
                wsems[b]
            )

        def wwait(b):
            pltpu.make_async_copy(
                out_v.at[b], out_hbm.at[pl.ds(base, CHUNK)], wsems[b]
            ).wait()

        for r in range(4):
            istart(r, r)
        iwait(0)
        gstart(0, 0)
        iwait(1)
        gstart(1, 1)
        gwait(0)
        wstart(0, 0)
        istart(4, 0)
        iwait(2)
        wwait(0)
        gstart(2, 0)
        gwait(1)
        wstart(1, 1)
        istart(5, 1)
        iwait(3)
        wwait(1)
        gstart(3, 1)
        gwait(0)
        wstart(2, 0)
        istart(6, 2)
        iwait(0)
        wwait(0)
        gstart(0, 0)
        gwait(1)
        wstart(3, 1)
        istart(7, 3)

        @pl.loop(1, N_CHUNK // 4 - 1)
        def _(q):
            c0 = 4 * q
            for r in range(4):
                c = c0 + r
                iwait((r + 1) % 4)
                wwait((r + 1) % 2)
                gstart((r + 1) % 4, (r + 1) % 2)
                gwait(r % 2)
                wstart(c, r % 2)
                istart(c + 4, r)

        ce = N_CHUNK - 4
        for r in range(3):
            c = ce + r
            iwait((r + 1) % 4)
            wwait((r + 1) % 2)
            gstart((r + 1) % 4, (r + 1) % 2)
            gwait(r % 2)
            wstart(c, r % 2)
        gwait(1)
        wstart(N_CHUNK - 1, 1)
        wwait(0)
        wwait(1)

    out = gather_kernel(flat_tables, g)
    return out.reshape(BS, NA, NH * D)

# --- scband reference (transcript-rebuilt; emitter-appended) ---
"""Pipeline reference for scband-prev-action-encoder-26439818674337 (READ-ONLY COPY).

The authoritative reference and input builder live on the scoring server;
editing this copy changes nothing except your own understanding.
"""

import jax, jax.numpy as jnp
import numpy as np

BS, NA, NH = 1024, 16, 26
VOCAB, D = 100000, 32

def setup_inputs(seed: int = 0) -> dict:
    key = jax.random.key(seed)
    k1, k2 = jax.random.split(key)
    prev_act = jax.random.randint(k1, (BS, NA, NH), 0, VOCAB, dtype=jnp.int32)
    # one embedding table per action head, stacked: tables[i] is head i's [VOCAB, D] table
    tables = jax.random.normal(k2, (NH, VOCAB, D), dtype=jnp.float32) * 0.02
    return {"prev_act": prev_act, "tables": tables}

def reference(prev_act, tables):
    bs, na, nh = prev_act.shape
    flat = prev_act.astype(jnp.int32).reshape(-1, nh)
    # per-head embedding lookup, as in the ModuleDict loop
    h_embed = [jnp.take(tables[i], flat[:, i], axis=0) for i in range(nh)]
    h = jnp.concatenate(h_embed, axis=-1).reshape(bs, na, -1)
    return h

if __name__ == "__main__":
    import jax
    _d = setup_inputs()
    print(jax.jit(kernel)(*tuple(_d.values())))

</pallas_src>

<mosaic_0001>
#map = affine_map<(d0, d1) -> (0, 0)>
#map1 = affine_map<(d0, d1) -> (0, 0, 0)>
module attributes {stable_mosaic.version = 14 : i64} {
  func.func @gather_kernel(%arg0: i32, %arg1: i32, %arg2: memref<2600000x32xf32, #tpu.memory_space<hbm>>, %arg3: memref<32x104x128xi32, #tpu.memory_space<hbm>>, %arg4: memref<425984x32xf32, #tpu.memory_space<hbm>>, %arg5: memref<4x1x128xi32, #tpu.memory_space<vmem>>, %arg6: memref<2x128x32xf32, #tpu.memory_space<vmem>>, %arg7: memref<!tpu.dma_semaphore, #tpu.memory_space<semaphore_mem>>, %arg8: memref<!tpu.dma_semaphore, #tpu.memory_space<semaphore_mem>>, %arg9: memref<!tpu.dma_semaphore, #tpu.memory_space<semaphore_mem>>, %arg10: memref<!tpu.dma_semaphore, #tpu.memory_space<semaphore_mem>>, %arg11: memref<!tpu.dma_semaphore, #tpu.memory_space<semaphore_mem>>, %arg12: memref<!tpu.dma_semaphore, #tpu.memory_space<semaphore_mem>>, %arg13: memref<!tpu.dma_semaphore, #tpu.memory_space<semaphore_mem>>, %arg14: memref<!tpu.dma_semaphore, #tpu.memory_space<semaphore_mem>>) attributes {dimension_semantics = [#tpu.dimension_semantics<core_parallel>, #tpu.dimension_semantics<subcore_parallel>], iteration_bounds = array<i64: 2, 16>, scalar_prefetch = 0 : i64, scratch_operands = 10 : i64, tpu.core_type = #tpu.core_type<sc_vector_subcore>, window_params = [{transform_indices = #map}, {transform_indices = #map1}, {transform_indices = #map}]} {
    %mul3A = arith.constant 2 : i32
    %mul3A_0 = arith.muli %arg1, %mul3A : i32
    %add3A = arith.addi %mul3A_0, %arg0 : i32
    %mul3A_1 = arith.constant 13312 : i32
    %mul3A_2 = arith.muli %add3A, %mul3A_1 : i32
    %dma_start3A = arith.constant 0 : i32
    %dma_start3A_3 = arith.constant 0 : i32
    %dma_start3A_4 = arith.constant 0 : i32
    %dma_start3A_5 = arith.constant 0 : i32
    %dma_start3A_6 = tpu.memref_slice %arg5[%dma_start3A_3, %dma_start3A_4, %dma_start3A_5] : memref<4x1x128xi32, #tpu.memory_space<vmem>> -> memref<1x1x128xi32, #tpu.memory_space<vmem>>
    %dma_start3A_7 = tpu.memref_squeeze %dma_start3A_6 : memref<1x1x128xi32, #tpu.memory_space<vmem>> -> memref<128xi32, #tpu.memory_space<vmem>>
    %dma_start3A_8 = arith.constant 0 : i32
    %dma_start3A_9 = tpu.memref_slice %arg3[%add3A, %dma_start3A, %dma_start3A_8] : memref<32x104x128xi32, #tpu.memory_space<hbm>> -> memref<1x1x128xi32, #tpu.memory_space<hbm>>
    %dma_start3A_10 = tpu.memref_squeeze %dma_start3A_9 : memref<1x1x128xi32, #tpu.memory_space<hbm>> -> memref<128xi32, #tpu.memory_space<hbm>>
    %dma_start3A_11 = arith.constant 0 : i32
    %dma_start3A_12 = tpu.memref_slice %arg5[%dma_start3A_3, %dma_start3A_4, %dma_start3A_11] : memref<4x1x128xi32, #tpu.memory_space<vmem>> -> memref<1x1x128xi32, #tpu.memory_space<vmem>>
    %dma_start3A_13 = tpu.memref_squeeze %dma_start3A_12 : memref<1x1x128xi32, #tpu.memory_space<vmem>> -> memref<128xi32, #tpu.memory_space<vmem>>
    %dma_start3A_14 = arith.constant 0 : i32
    %dma_start3A_15 = tpu.memref_slice %arg3[%add3A, %dma_start3A, %dma_start3A_14] : memref<32x104x128xi32, #tpu.memory_space<hbm>> -> memref<1x1x128xi32, #tpu.memory_space<hbm>>
    %dma_start3A_16 = tpu.memref_squeeze %dma_start3A_15 : memref<1x1x128xi32, #tpu.memory_space<hbm>> -> memref<128xi32, #tpu.memory_space<hbm>>
    tpu.enqueue_dma source(%dma_start3A_16 : memref<128xi32, #tpu.memory_space<hbm>>) target(%dma_start3A_13 : memref<128xi32, #tpu.memory_space<vmem>>) target_semaphore(%arg7 : memref<!tpu.dma_semaphore, #tpu.memory_space<semaphore_mem>>)
    %dma_start3A_17 = arith.constant 1 : i32
    %dma_start3A_18 = arith.constant 1 : i32
    %dma_start3A_19 = arith.constant 0 : i32
    %dma_start3A_20 = arith.constant 0 : i32
    %dma_start3A_21 = tpu.memref_slice %arg5[%dma_start3A_18, %dma_start3A_19, %dma_start3A_20] : memref<4x1x128xi32, #tpu.memory_space<vmem>> -> memref<1x1x128xi32, #tpu.memory_space<vmem>>
    %dma_start3A_22 = tpu.memref_squeeze %dma_start3A_21 : memref<1x1x128xi32, #tpu.memory_space<vmem>> -> memref<128xi32, #tpu.memory_space<vmem>>
    %dma_start3A_23 = arith.constant 0 : i32
    %dma_start3A_24 = tpu.memref_slice %arg3[%add3A, %dma_start3A_17, %dma_start3A_23] : memref<32x104x128xi32, #tpu.memory_space<hbm>> -> memref<1x1x128xi32, #tpu.memory_space<hbm>>
    %dma_start3A_25 = tpu.memref_squeeze %dma_start3A_24 : memref<1x1x128xi32, #tpu.memory_space<hbm>> -> memref<128xi32, #tpu.memory_space<hbm>>
    %dma_start3A_26 = arith.constant 0 : i32
    %dma_start3A_27 = tpu.memref_slice %arg5[%dma_start3A_18, %dma_start3A_19, %dma_start3A_26] : memref<4x1x128xi32, #tpu.memory_space<vmem>> -> memref<1x1x128xi32, #tpu.memory_space<vmem>>
    %dma_start3A_28 = tpu.memref_squeeze %dma_start3A_27 : memref<1x1x128xi32, #tpu.memory_space<vmem>> -> memref<128xi32, #tpu.memory_space<vmem>>
    %dma_start3A_29 = arith.constant 0 : i32
    %dma_start3A_30 = tpu.memref_slice %arg3[%add3A, %dma_start3A_17, %dma_start3A_29] : memref<32x104x128xi32, #tpu.memory_space<hbm>> -> memref<1x1x128xi32, #tpu.memory_space<hbm>>
    %dma_start3A_31 = tpu.memref_squeeze %dma_start3A_30 : memref<1x1x128xi32, #tpu.memory_space<hbm>> -> memref<128xi32, #tpu.memory_space<hbm>>
    tpu.enqueue_dma source(%dma_start3A_31 : memref<128xi32, #tpu.memory_space<hbm>>) target(%dma_start3A_28 : memref<128xi32, #tpu.memory_space<vmem>>) target_semaphore(%arg8 : memref<!tpu.dma_semaphore, #tpu.memory_space<semaphore_mem>>)
    %dma_start3A_32 = arith.constant 2 : i32
    %dma_start3A_33 = arith.constant 2 : i32
    %dma_start3A_34 = arith.constant 0 : i32
    %dma_start3A_35 = arith.constant 0 : i32
    %dma_start3A_36 = tpu.memref_slice %arg5[%dma_start3A_33, %dma_start3A_34, %dma_start3A_35] : memref<4x1x128xi32, #tpu.memory_space<vmem>> -> memref<1x1x128xi32, #tpu.memory_space<vmem>>
    %dma_start3A_37 = tpu.memref_squeeze %dma_start3A_36 : memref<1x1x128xi32, #tpu.memory_space<vmem>> -> memref<128xi32, #tpu.memory_space<vmem>>
    %dma_start3A_38 = arith.constant 0 : i32
    %dma_start3A_39 = tpu.memref_slice %arg3[%add3A, %dma_start3A_32, %dma_start3A_38] : memref<32x104x128xi32, #tpu.memory_space<hbm>> -> memref<1x1x128xi32, #tpu.memory_space<hbm>>
    %dma_start3A_40 = tpu.memref_squeeze %dma_start3A_39 : memref<1x1x128xi32, #tpu.memory_space<hbm>> -> memref<128xi32, #tpu.memory_space<hbm>>
    %dma_start3A_41 = arith.constant 0 : i32
    %dma_start3A_42 = tpu.memref_slice %arg5[%dma_start3A_33, %dma_start3A_34, %dma_start3A_41] : memref<4x1x128xi32, #tpu.memory_space<vmem>> -> memref<1x1x128xi32, #tpu.memory_space<vmem>>
    %dma_start3A_43 = tpu.memref_squeeze %dma_start3A_42 : memref<1x1x128xi32, #tpu.memory_space<vmem>> -> memref<128xi32, #tpu.memory_space<vmem>>
    %dma_start3A_44 = arith.constant 0 : i32
    %dma_start3A_45 = tpu.memref_slice %arg3[%add3A, %dma_start3A_32, %dma_start3A_44] : memref<32x104x128xi32, #tpu.memory_space<hbm>> -> memref<1x1x128xi32, #tpu.memory_space<hbm>>
    %dma_start3A_46 = tpu.memref_squeeze %dma_start3A_45 : memref<1x1x128xi32, #tpu.memory_space<hbm>> -> memref<128xi32, #tpu.memory_space<hbm>>
    tpu.enqueue_dma source(%dma_start3A_46 : memref<128xi32, #tpu.memory_space<hbm>>) target(%dma_start3A_43 : memref<128xi32, #tpu.memory_space<vmem>>) target_semaphore(%arg9 : memref<!tpu.dma_semaphore, #tpu.memory_space<semaphore_mem>>)
    %dma_start3A_47 = arith.constant 3 : i32
    %dma_start3A_48 = arith.constant 3 : i32
    %dma_start3A_49 = arith.constant 0 : i32
    %dma_start3A_50 = arith.constant 0 : i32
    %dma_start3A_51 = tpu.memref_slice %arg5[%dma_start3A_48, %dma_start3A_49, %dma_start3A_50] : memref<4x1x128xi32, #tpu.memory_space<vmem>> -> memref<1x1x128xi32, #tpu.memory_space<vmem>>
    %dma_start3A_52 = tpu.memref_squeeze %dma_start3A_51 : memref<1x1x128xi32, #tpu.memory_space<vmem>> -> memref<128xi32, #tpu.memory_space<vmem>>
    %dma_start3A_53 = arith.constant 0 : i32
    %dma_start3A_54 = tpu.memref_slice %arg3[%add3A, %dma_start3A_47, %dma_start3A_53] : memref<32x104x128xi32, #tpu.memory_space<hbm>> -> memref<1x1x128xi32, #tpu.memory_space<hbm>>
    %dma_start3A_55 = tpu.memref_squeeze %dma_start3A_54 : memref<1x1x128xi32, #tpu.memory_space<hbm>> -> memref<128xi32, #tpu.memory_space<hbm>>
    %dma_start3A_56 = arith.constant 0 : i32
    %dma_start3A_57 = tpu.memref_slice %arg5[%dma_start3A_48, %dma_start3A_49, %dma_start3A_56] : memref<4x1x128xi32, #tpu.memory_space<vmem>> -> memref<1x1x128xi32, #tpu.memory_space<vmem>>
    %dma_start3A_58 = tpu.memref_squeeze %dma_start3A_57 : memref<1x1x128xi32, #tpu.memory_space<vmem>> -> memref<128xi32, #tpu.memory_space<vmem>>
    %dma_start3A_59 = arith.constant 0 : i32
    %dma_start3A_60 = tpu.memref_slice %arg3[%add3A, %dma_start3A_47, %dma_start3A_59] : memref<32x104x128xi32, #tpu.memory_space<hbm>> -> memref<1x1x128xi32, #tpu.memory_space<hbm>>
    %dma_start3A_61 = tpu.memref_squeeze %dma_start3A_60 : memref<1x1x128xi32, #tpu.memory_space<hbm>> -> memref<128xi32, #tpu.memory_space<hbm>>
    tpu.enqueue_dma source(%dma_start3A_61 : memref<128xi32, #tpu.memory_space<hbm>>) target(%dma_start3A_58 : memref<128xi32, #tpu.memory_space<vmem>>) target_semaphore(%arg10 : memref<!tpu.dma_semaphore, #tpu.memory_space<semaphore_mem>>)
    %dma_wait3A = arith.constant 0 : i32
    %dma_wait3A_62 = arith.constant 0 : i32
    %dma_wait3A_63 = arith.constant 0 : i32
    %dma_wait3A_64 = arith.constant 0 : i32
    %dma_wait3A_65 = tpu.memref_slice %arg5[%dma_wait3A_62, %dma_wait3A_63, %dma_wait3A_64] : memref<4x1x128xi32, #tpu.memory_space<vmem>> -> memref<1x1x128xi32, #tpu.memory_space<vmem>>
    %dma_wait3A_66 = tpu.memref_squeeze %dma_wait3A_65 : memref<1x1x128xi32, #tpu.memory_space<vmem>> -> memref<128xi32, #tpu.memory_space<vmem>>
    %dma_wait3A_67 = arith.constant 0 : i32
    %dma_wait3A_68 = tpu.memref_slice %arg3[%add3A, %dma_wait3A, %dma_wait3A_67] : memref<32x104x128xi32, #tpu.memory_space<hbm>> -> memref<1x1x128xi32, #tpu.memory_space<hbm>>
    %dma_wait3A_69 = tpu.memref_squeeze %dma_wait3A_68 : memref<1x1x128xi32, #tpu.memory_space<hbm>> -> memref<128xi32, #tpu.memory_space<hbm>>
    %dma_wait3A_70 = arith.constant 0 : i32
    %dma_wait3A_71 = tpu.memref_slice %arg5[%dma_wait3A_62, %dma_wait3A_63, %dma_wait3A_70] : memref<4x1x128xi32, #tpu.memory_space<vmem>> -> memref<1x1x128xi32, #tpu.memory_space<vmem>>
    %dma_wait3A_72 = tpu.memref_squeeze %dma_wait3A_71 : memref<1x1x128xi32, #tpu.memory_space<vmem>> -> memref<128xi32, #tpu.memory_space<vmem>>
    %dma_wait3A_73 = arith.constant 0 : i32
    %dma_wait3A_74 = tpu.memref_slice %arg3[%add3A, %dma_wait3A, %dma_wait3A_73] : memref<32x104x128xi32, #tpu.memory_space<hbm>> -> memref<1x1x128xi32, #tpu.memory_space<hbm>>
    %dma_wait3A_75 = tpu.memref_squeeze %dma_wait3A_74 : memref<1x1x128xi32, #tpu.memory_space<hbm>> -> memref<128xi32, #tpu.memory_space<hbm>>
    tpu.wait_dma2 semaphore(%arg7 : memref<!tpu.dma_semaphore, #tpu.memory_space<semaphore_mem>>) src(%dma_wait3A_75 : memref<128xi32, #tpu.memory_space<hbm>>) dst(%dma_wait3A_72 : memref<128xi32, #tpu.memory_space<vmem>>)
    %dma_start3A_76 = arith.constant 0 : i32
    %dma_start3A_77 = arith.constant 0 : i32
    %dma_start3A_78 = arith.constant 0 : i32
    %dma_start3A_79 = arith.constant 0 : i32
    %dma_start3A_80 = arith.constant 0 : i32
    %dma_start3A_81 = tpu.memref_slice %arg6[%dma_start3A_78, %dma_start3A_79, %dma_start3A_80] : memref<2x128x32xf32, #tpu.memory_space<vmem>> -> memref<1x128x32xf32, #tpu.memory_space<vmem>>
    %dma_start3A_82 = tpu.memref_squeeze %dma_start3A_81 : memref<1x128x32xf32, #tpu.memory_space<vmem>> -> memref<128x32xf32, #tpu.memory_space<vmem>>
    %dma_start3A_83 = arith.constant 0 : i32
    %dma_start3A_84 = tpu.memref_slice %arg5[%dma_start3A_76, %dma_start3A_77, %dma_start3A_83] : memref<4x1x128xi32, #tpu.memory_space<vmem>> -> memref<1x1x128xi32, #tpu.memory_space<vmem>>
    %dma_start3A_85 = tpu.memref_squeeze %dma_start3A_84 : memref<1x1x128xi32, #tpu.memory_space<vmem>> -> memref<128xi32, #tpu.memory_space<vmem>>
    %dma_start3A_86 = arith.constant 0 : i32
    %dma_start3A_87 = arith.constant 0 : i32
    %dma_start3A_88 = tpu.memref_slice %arg2[%dma_start3A_86, %dma_start3A_87] : memref<2600000x32xf32, #tpu.memory_space<hbm>> -> memref<2600000x32xf32, #tpu.memory_space<hbm>>
    tpu.enqueue_indirect_dma source(%dma_start3A_88 : memref<2600000x32xf32, #tpu.memory_space<hbm>>) target(%dma_start3A_82 : memref<128x32xf32, #tpu.memory_space<vmem>>) offsets(%dma_start3A_85 : memref<128xi32, #tpu.memory_space<vmem>>) semaphore(%arg11 : memref<!tpu.dma_semaphore, #tpu.memory_space<semaphore_mem>>)
    %dma_wait3A_89 = arith.constant 0 : i32
    %dma_wait3A_90 = arith.constant 1 : i32
    %dma_wait3A_91 = arith.constant 0 : i32
    %dma_wait3A_92 = arith.constant 0 : i32
    %dma_wait3A_93 = tpu.memref_slice %arg5[%dma_wait3A_90, %dma_wait3A_91, %dma_wait3A_92] : memref<4x1x128xi32, #tpu.memory_space<vmem>> -> memref<1x1x128xi32, #tpu.memory_space<vmem>>
    %dma_wait3A_94 = tpu.memref_squeeze %dma_wait3A_93 : memref<1x1x128xi32, #tpu.memory_space<vmem>> -> memref<128xi32, #tpu.memory_space<vmem>>
    %dma_wait3A_95 = arith.constant 0 : i32
    %dma_wait3A_96 = tpu.memref_slice %arg3[%add3A, %dma_wait3A_89, %dma_wait3A_95] : memref<32x104x128xi32, #tpu.memory_space<hbm>> -> memref<1x1x128xi32, #tpu.memory_space<hbm>>
    %dma_wait3A_97 = tpu.memref_squeeze %dma_wait3A_96 : memref<1x1x128xi32, #tpu.memory_space<hbm>> -> memref<128xi32, #tpu.memory_space<hbm>>
    %dma_wait3A_98 = arith.constant 0 : i32
    %dma_wait3A_99 = tpu.memref_slice %arg5[%dma_wait3A_90, %dma_wait3A_91, %dma_wait3A_98] : memref<4x1x128xi32, #tpu.memory_space<vmem>> -> memref<1x1x128xi32, #tpu.memory_space<vmem>>
    %dma_wait3A_100 = tpu.memref_squeeze %dma_wait3A_99 : memref<1x1x128xi32, #tpu.memory_space<vmem>> -> memref<128xi32, #tpu.memory_space<vmem>>
    %dma_wait3A_101 = arith.constant 0 : i32
    %dma_wait3A_102 = tpu.memref_slice %arg3[%add3A, %dma_wait3A_89, %dma_wait3A_101] : memref<32x104x128xi32, #tpu.memory_space<hbm>> -> memref<1x1x128xi32, #tpu.memory_space<hbm>>
    %dma_wait3A_103 = tpu.memref_squeeze %dma_wait3A_102 : memref<1x1x128xi32, #tpu.memory_space<hbm>> -> memref<128xi32, #tpu.memory_space<hbm>>
    tpu.wait_dma2 semaphore(%arg8 : memref<!tpu.dma_semaphore, #tpu.memory_space<semaphore_mem>>) src(%dma_wait3A_103 : memref<128xi32, #tpu.memory_space<hbm>>) dst(%dma_wait3A_100 : memref<128xi32, #tpu.memory_space<vmem>>)
    %dma_start3A_104 = arith.constant 1 : i32
    %dma_start3A_105 = arith.constant 0 : i32
    %dma_start3A_106 = arith.constant 1 : i32
    %dma_start3A_107 = arith.constant 0 : i32
    %dma_start3A_108 = arith.constant 0 : i32
    %dma_start3A_109 = tpu.memref_slice %arg6[%dma_start3A_106, %dma_start3A_107, %dma_start3A_108] : memref<2x128x32xf32, #tpu.memory_space<vmem>> -> memref<1x128x32xf32, #tpu.memory_space<vmem>>
    %dma_start3A_110 = tpu.memref_squeeze %dma_start3A_109 : memref<1x128x32xf32, #tpu.memory_space<vmem>> -> memref<128x32xf32, #tpu.memory_space<vmem>>
    %dma_start3A_111 = arith.constant 0 : i32
    %dma_start3A_112 = tpu.memref_slice %arg5[%dma_start3A_104, %dma_start3A_105, %dma_start3A_111] : memref<4x1x128xi32, #tpu.memory_space<vmem>> -> memref<1x1x128xi32, #tpu.memory_space<vmem>>
    %dma_start3A_113 = tpu.memref_squeeze %dma_start3A_112 : memref<1x1x128xi32, #tpu.memory_space<vmem>> -> memref<128xi32, #tpu.memory_space<vmem>>
    %dma_start3A_114 = arith.constant 0 : i32
    %dma_start3A_115 = arith.constant 0 : i32
    %dma_start3A_116 = tpu.memref_slice %arg2[%dma_start3A_114, %dma_start3A_115] : memref<2600000x32xf32, #tpu.memory_space<hbm>> -> memref<2600000x32xf32, #tpu.memory_space<hbm>>
    tpu.enqueue_indirect_dma source(%dma_start3A_116 : memref<2600000x32xf32, #tpu.memory_space<hbm>>) target(%dma_start3A_110 : memref<128x32xf32, #tpu.memory_space<vmem>>) offsets(%dma_start3A_113 : memref<128xi32, #tpu.memory_space<vmem>>) semaphore(%arg12 : memref<!tpu.dma_semaphore, #tpu.memory_space<semaphore_mem>>)
    %dma_wait3A_117 = arith.constant 0 : i32
    %dma_wait3A_118 = arith.constant 0 : i32
    %dma_wait3A_119 = arith.constant 0 : i32
    %dma_wait3A_120 = arith.constant 0 : i32
    %dma_wait3A_121 = arith.constant 0 : i32
    %dma_wait3A_122 = tpu.memref_slice %arg6[%dma_wait3A_119, %dma_wait3A_120, %dma_wait3A_121] : memref<2x128x32xf32, #tpu.memory_space<vmem>> -> memref<1x128x32xf32, #tpu.memory_space<vmem>>
    %dma_wait3A_123 = tpu.memref_squeeze %dma_wait3A_122 : memref<1x128x32xf32, #tpu.memory_space<vmem>> -> memref<128x32xf32, #tpu.memory_space<vmem>>
    %dma_wait3A_124 = arith.constant 0 : i32
    %dma_wait3A_125 = tpu.memref_slice %arg5[%dma_wait3A_117, %dma_wait3A_118, %dma_wait3A_124] : memref<4x1x128xi32, #tpu.memory_space<vmem>> -> memref<1x1x128xi32, #tpu.memory_space<vmem>>
    %dma_wait3A_126 = tpu.memref_squeeze %dma_wait3A_125 : memref<1x1x128xi32, #tpu.memory_space<vmem>> -> memref<128xi32, #tpu.memory_space<vmem>>
    %dma_wait3A_127 = arith.constant 0 : i32
    %dma_wait3A_128 = arith.constant 0 : i32
    %dma_wait3A_129 = tpu.memref_slice %arg2[%dma_wait3A_127, %dma_wait3A_128] : memref<2600000x32xf32, #tpu.memory_space<hbm>> -> memref<2600000x32xf32, #tpu.memory_space<hbm>>
    tpu.wait_indirect_dma semaphore(%arg11 : memref<!tpu.dma_semaphore, #tpu.memory_space<semaphore_mem>>) src(%dma_wait3A_129 : memref<2600000x32xf32, #tpu.memory_space<hbm>>) dst(%dma_wait3A_123 : memref<128x32xf32, #tpu.memory_space<vmem>>)
    %add3A_130 = arith.constant 0 : i32
    %add3A_131 = arith.addi %mul3A_2, %add3A_130 : i32
    %dma_start3A_132 = arith.constant 0 : i32
    %dma_start3A_133 = arith.constant 0 : i32
    %dma_start3A_134 = arith.constant 0 : i32
    %dma_start3A_135 = tpu.memref_slice %arg6[%dma_start3A_132, %dma_start3A_133, %dma_start3A_134] : memref<2x128x32xf32, #tpu.memory_space<vmem>> -> memref<1x128x32xf32, #tpu.memory_space<vmem>>
    %dma_start3A_136 = tpu.memref_squeeze %dma_start3A_135 : memref<1x128x32xf32, #tpu.memory_space<vmem>> -> memref<128x32xf32, #tpu.memory_space<vmem>>
    %dma_start3A_137 = arith.constant 0 : i32
    %dma_start3A_138 = tpu.memref_slice %arg4[%add3A_131, %dma_start3A_137] : memref<425984x32xf32, #tpu.memory_space<hbm>> -> memref<128x32xf32, #tpu.memory_space<hbm>>
    %dma_start3A_139 = arith.constant 0 : i32
    %dma_start3A_140 = tpu.memref_slice %arg4[%add3A_131, %dma_start3A_139] : memref<425984x32xf32, #tpu.memory_space<hbm>> -> memref<128x32xf32, #tpu.memory_space<hbm>>
    %dma_start3A_141 = arith.constant 0 : i32
    %dma_start3A_142 = arith.constant 0 : i32
    %dma_start3A_143 = tpu.memref_slice %arg6[%dma_start3A_132, %dma_start3A_141, %dma_start3A_142] : memref<2x128x32xf32, #tpu.memory_space<vmem>> -> memref<1x128x32xf32, #tpu.memory_space<vmem>>
    %dma_start3A_144 = tpu.memref_squeeze %dma_start3A_143 : memref<1x128x32xf32, #tpu.memory_space<vmem>> -> memref<128x32xf32, #tpu.memory_space<vmem>>
    tpu.enqueue_dma source(%dma_start3A_144 : memref<128x32xf32, #tpu.memory_space<vmem>>) target(%dma_start3A_140 : memref<128x32xf32, #tpu.memory_space<hbm>>) target_semaphore(%arg13 : memref<!tpu.dma_semaphore, #tpu.memory_space<semaphore_mem>>)
    %dma_start3A_145 = arith.constant 4 : i32
    %dma_start3A_146 = arith.constant 0 : i32
    %dma_start3A_147 = arith.constant 0 : i32
    %dma_start3A_148 = arith.constant 0 : i32
    %dma_start3A_149 = tpu.memref_slice %arg5[%dma_start3A_146, %dma_start3A_147, %dma_start3A_148] : memref<4x1x128xi32, #tpu.memory_space<vmem>> -> memref<1x1x128xi32, #tpu.memory_space<vmem>>
    %dma_start3A_150 = tpu.memref_squeeze %dma_start3A_149 : memref<1x1x128xi32, #tpu.memory_space<vmem>> -> memref<128xi32, #tpu.memory_space<vmem>>
    %dma_start3A_151 = arith.constant 0 : i32
    %dma_start3A_152 = tpu.memref_slice %arg3[%add3A, %dma_start3A_145, %dma_start3A_151] : memref<32x104x128xi32, #tpu.memory_space<hbm>> -> memref<1x1x128xi32, #tpu.memory_space<hbm>>
    %dma_start3A_153 = tpu.memref_squeeze %dma_start3A_152 : memref<1x1x128xi32, #tpu.memory_space<hbm>> -> memref<128xi32, #tpu.memory_space<hbm>>
    %dma_start3A_154 = arith.constant 0 : i32
    %dma_start3A_155 = tpu.memref_slice %arg5[%dma_start3A_146, %dma_start3A_147, %dma_start3A_154] : memref<4x1x128xi32, #tpu.memory_space<vmem>> -> memref<1x1x128xi32, #tpu.memory_space<vmem>>
    %dma_start3A_156 = tpu.memref_squeeze %dma_start3A_155 : memref<1x1x128xi32, #tpu.memory_space<vmem>> -> memref<128xi32, #tpu.memory_space<vmem>>
    %dma_start3A_157 = arith.constant 0 : i32
    %dma_start3A_158 = tpu.memref_slice %arg3[%add3A, %dma_start3A_145, %dma_start3A_157] : memref<32x104x128xi32, #tpu.memory_space<hbm>> -> memref<1x1x128xi32, #tpu.memory_space<hbm>>
    %dma_start3A_159 = tpu.memref_squeeze %dma_start3A_158 : memref<1x1x128xi32, #tpu.memory_space<hbm>> -> memref<128xi32, #tpu.memory_space<hbm>>
    tpu.enqueue_dma source(%dma_start3A_159 : memref<128xi32, #tpu.memory_space<hbm>>) target(%dma_start3A_156 : memref<128xi32, #tpu.memory_space<vmem>>) target_semaphore(%arg7 : memref<!tpu.dma_semaphore, #tpu.memory_space<semaphore_mem>>)
    %dma_wait3A_160 = arith.constant 0 : i32
    %dma_wait3A_161 = arith.constant 2 : i32
    %dma_wait3A_162 = arith.constant 0 : i32
    %dma_wait3A_163 = arith.constant 0 : i32
    %dma_wait3A_164 = tpu.memref_slice %arg5[%dma_wait3A_161, %dma_wait3A_162, %dma_wait3A_163] : memref<4x1x128xi32, #tpu.memory_space<vmem>> -> memref<1x1x128xi32, #tpu.memory_space<vmem>>
    %dma_wait3A_165 = tpu.memref_squeeze %dma_wait3A_164 : memref<1x1x128xi32, #tpu.memory_space<vmem>> -> memref<128xi32, #tpu.memory_space<vmem>>
    %dma_wait3A_166 = arith.constant 0 : i32
    %dma_wait3A_167 = tpu.memref_slice %arg3[%add3A, %dma_wait3A_160, %dma_wait3A_166] : memref<32x104x128xi32, #tpu.memory_space<hbm>> -> memref<1x1x128xi32, #tpu.memory_space<hbm>>
    %dma_wait3A_168 = tpu.memref_squeeze %dma_wait3A_167 : memref<1x1x128xi32, #tpu.memory_space<hbm>> -> memref<128xi32, #tpu.memory_space<hbm>>
    %dma_wait3A_169 = arith.constant 0 : i32
    %dma_wait3A_170 = tpu.memref_slice %arg5[%dma_wait3A_161, %dma_wait3A_162, %dma_wait3A_169] : memref<4x1x128xi32, #tpu.memory_space<vmem>> -> memref<1x1x128xi32, #tpu.memory_space<vmem>>
    %dma_wait3A_171 = tpu.memref_squeeze %dma_wait3A_170 : memref<1x1x128xi32, #tpu.memory_space<vmem>> -> memref<128xi32, #tpu.memory_space<vmem>>
    %dma_wait3A_172 = arith.constant 0 : i32
    %dma_wait3A_173 = tpu.memref_slice %arg3[%add3A, %dma_wait3A_160, %dma_wait3A_172] : memref<32x104x128xi32, #tpu.memory_space<hbm>> -> memref<1x1x128xi32, #tpu.memory_space<hbm>>
    %dma_wait3A_174 = tpu.memref_squeeze %dma_wait3A_173 : memref<1x1x128xi32, #tpu.memory_space<hbm>> -> memref<128xi32, #tpu.memory_space<hbm>>
    tpu.wait_dma2 semaphore(%arg9 : memref<!tpu.dma_semaphore, #tpu.memory_space<semaphore_mem>>) src(%dma_wait3A_174 : memref<128xi32, #tpu.memory_space<hbm>>) dst(%dma_wait3A_171 : memref<128xi32, #tpu.memory_space<vmem>>)
    %dma_wait3A_175 = arith.constant 0 : i32
    %dma_wait3A_176 = arith.constant 0 : i32
    %dma_wait3A_177 = arith.constant 0 : i32
    %dma_wait3A_178 = tpu.memref_slice %arg6[%dma_wait3A_175, %dma_wait3A_176, %dma_wait3A_177] : memref<2x128x32xf32, #tpu.memory_space<vmem>> -> memref<1x128x32xf32, #tpu.memory_space<vmem>>
    %dma_wait3A_179 = tpu.memref_squeeze %dma_wait3A_178 : memref<1x128x32xf32, #tpu.memory_space<vmem>> -> memref<128x32xf32, #tpu.memory_space<vmem>>
    %dma_wait3A_180 = arith.constant 0 : i32
    %dma_wait3A_181 = tpu.memref_slice %arg4[%mul3A_2, %dma_wait3A_180] : memref<425984x32xf32, #tpu.memory_space<hbm>> -> memref<128x32xf32, #tpu.memory_space<hbm>>
    %dma_wait3A_182 = arith.constant 0 : i32
    %dma_wait3A_183 = tpu.memref_slice %arg4[%mul3A_2, %dma_wait3A_182] : memref<425984x32xf32, #tpu.memory_space<hbm>> -> memref<128x32xf32, #tpu.memory_space<hbm>>
    %dma_wait3A_184 = arith.constant 0 : i32
    %dma_wait3A_185 = arith.constant 0 : i32
    %dma_wait3A_186 = tpu.memref_slice %arg6[%dma_wait3A_175, %dma_wait3A_184, %dma_wait3A_185] : memref<2x128x32xf32, #tpu.memory_space<vmem>> -> memref<1x128x32xf32, #tpu.memory_space<vmem>>
    %dma_wait3A_187 = tpu.memref_squeeze %dma_wait3A_186 : memref<1x128x32xf32, #tpu.memory_space<vmem>> -> memref<128x32xf32, #tpu.memory_space<vmem>>
    tpu.wait_dma2 semaphore(%arg13 : memref<!tpu.dma_semaphore, #tpu.memory_space<semaphore_mem>>) src(%dma_wait3A_187 : memref<128x32xf32, #tpu.memory_space<vmem>>) dst(%dma_wait3A_183 : memref<128x32xf32, #tpu.memory_space<hbm>>)
    %dma_start3A_188 = arith.constant 2 : i32
    %dma_start3A_189 = arith.constant 0 : i32
    %dma_start3A_190 = arith.constant 0 : i32
    %dma_start3A_191 = arith.constant 0 : i32
    %dma_start3A_192 = arith.constant 0 : i32
    %dma_start3A_193 = tpu.memref_slice %arg6[%dma_start3A_190, %dma_start3A_191, %dma_start3A_192] : memref<2x128x32xf32, #tpu.memory_space<vmem>> -> memref<1x128x32xf32, #tpu.memory_space<vmem>>
    %dma_start3A_194 = tpu.memref_squeeze %dma_start3A_193 : memref<1x128x32xf32, #tpu.memory_space<vmem>> -> memref<128x32xf32, #tpu.memory_space<vmem>>
    %dma_start3A_195 = arith.constant 0 : i32
    %dma_start3A_196 = tpu.memref_slice %arg5[%dma_start3A_188, %dma_start3A_189, %dma_start3A_195] : memref<4x1x128xi32, #tpu.memory_space<vmem>> -> memref<1x1x128xi32, #tpu.memory_space<vmem>>
    %dma_start3A_197 = tpu.memref_squeeze %dma_start3A_196 : memref<1x1x128xi32, #tpu.memory_space<vmem>> -> memref<128xi32, #tpu.memory_space<vmem>>
    %dma_start3A_198 = arith.constant 0 : i32
    %dma_start3A_199 = arith.constant 0 : i32
    %dma_start3A_200 = tpu.memref_slice %arg2[%dma_start3A_198, %dma_start3A_199] : memref<2600000x32xf32, #tpu.memory_space<hbm>> -> memref<2600000x32xf32, #tpu.memory_space<hbm>>
    tpu.enqueue_indirect_dma source(%dma_start3A_200 : memref<2600000x32xf32, #tpu.memory_space<hbm>>) target(%dma_start3A_194 : memref<128x32xf32, #tpu.memory_space<vmem>>) offsets(%dma_start3A_197 : memref<128xi32, #tpu.memory_space<vmem>>) semaphore(%arg11 : memref<!tpu.dma_semaphore, #tpu.memory_space<semaphore_mem>>)
    %dma_wait3A_201 = arith.constant 0 : i32
    %dma_wait3A_202 = arith.constant 0 : i32
    %dma_wait3A_203 = arith.constant 1 : i32
    %dma_wait3A_204 = arith.constant 0 : i32
    %dma_wait3A_205 = arith.constant 0 : i32
    %dma_wait3A_206 = tpu.memref_slice %arg6[%dma_wait3A_203, %dma_wait3A_204, %dma_wait3A_205] : memref<2x128x32xf32, #tpu.memory_space<vmem>> -> memref<1x128x32xf32, #tpu.memory_space<vmem>>
    %dma_wait3A_207 = tpu.memref_squeeze %dma_wait3A_206 : memref<1x128x32xf32, #tpu.memory_space<vmem>> -> memref<128x32xf32, #tpu.memory_space<vmem>>
    %dma_wait3A_208 = arith.constant 0 : i32
    %dma_wait3A_209 = tpu.memref_slice %arg5[%dma_wait3A_201, %dma_wait3A_202, %dma_wait3A_208] : memref<4x1x128xi32, #tpu.memory_space<vmem>> -> memref<1x1x128xi32, #tpu.memory_space<vmem>>
    %dma_wait3A_210 = tpu.memref_squeeze %dma_wait3A_209 : memref<1x1x128xi32, #tpu.memory_space<vmem>> -> memref<128xi32, #tpu.memory_space<vmem>>
    %dma_wait3A_211 = arith.constant 0 : i32
    %dma_wait3A_212 = arith.constant 0 : i32
    %dma_wait3A_213 = tpu.memref_slice %arg2[%dma_wait3A_211, %dma_wait3A_212] : memref<2600000x32xf32, #tpu.memory_space<hbm>> -> memref<2600000x32xf32, #tpu.memory_space<hbm>>
    tpu.wait_indirect_dma semaphore(%arg12 : memref<!tpu.dma_semaphore, #tpu.memory_space<semaphore_mem>>) src(%dma_wait3A_213 : memref<2600000x32xf32, #tpu.memory_space<hbm>>) dst(%dma_wait3A_207 : memref<128x32xf32, #tpu.memory_space<vmem>>)
    %add3A_214 = arith.constant 128 : i32
    %add3A_215 = arith.addi %mul3A_2, %add3A_214 : i32
    %dma_start3A_216 = arith.constant 1 : i32
    %dma_start3A_217 = arith.constant 0 : i32
    %dma_start3A_218 = arith.constant 0 : i32
    %dma_start3A_219 = tpu.memref_slice %arg6[%dma_start3A_216, %dma_start3A_217, %dma_start3A_218] : memref<2x128x32xf32, #tpu.memory_space<vmem>> -> memref<1x128x32xf32, #tpu.memory_space<vmem>>
    %dma_start3A_220 = tpu.memref_squeeze %dma_start3A_219 : memref<1x128x32xf32, #tpu.memory_space<vmem>> -> memref<128x32xf32, #tpu.memory_space<vmem>>
    %dma_start3A_221 = arith.constant 0 : i32
    %dma_start3A_222 = tpu.memref_slice %arg4[%add3A_215, %dma_start3A_221] : memref<425984x32xf32, #tpu.memory_space<hbm>> -> memref<128x32xf32, #tpu.memory_space<hbm>>
    %dma_start3A_223 = arith.constant 0 : i32
    %dma_start3A_224 = tpu.memref_slice %arg4[%add3A_215, %dma_start3A_223] : memref<425984x32xf32, #tpu.memory_space<hbm>> -> memref<128x32xf32, #tpu.memory_space<hbm>>
    %dma_start3A_225 = arith.constant 0 : i32
    %dma_start3A_226 = arith.constant 0 : i32
    %dma_start3A_227 = tpu.memref_slice %arg6[%dma_start3A_216, %dma_start3A_225, %dma_start3A_226] : memref<2x128x32xf32, #tpu.memory_space<vmem>> -> memref<1x128x32xf32, #tpu.memory_space<vmem>>
    %dma_start3A_228 = tpu.memref_squeeze %dma_start3A_227 : memref<1x128x32xf32, #tpu.memory_space<vmem>> -> memref<128x32xf32, #tpu.memory_space<vmem>>
    tpu.enqueue_dma source(%dma_start3A_228 : memref<128x32xf32, #tpu.memory_space<vmem>>) target(%dma_start3A_224 : memref<128x32xf32, #tpu.memory_space<hbm>>) target_semaphore(%arg14 : memref<!tpu.dma_semaphore, #tpu.memory_space<semaphore_mem>>)
    %dma_start3A_229 = arith.constant 5 : i32
    %dma_start3A_230 = arith.constant 1 : i32
    %dma_start3A_231 = arith.constant 0 : i32
    %dma_start3A_232 = arith.constant 0 : i32
    %dma_start3A_233 = tpu.memref_slice %arg5[%dma_start3A_230, %dma_start3A_231, %dma_start3A_232] : memref<4x1x128xi32, #tpu.memory_space<vmem>> -> memref<1x1x128xi32, #tpu.memory_space<vmem>>
    %dma_start3A_234 = tpu.memref_squeeze %dma_start3A_233 : memref<1x1x128xi32, #tpu.memory_space<vmem>> -> memref<128xi32, #tpu.memory_space<vmem>>
    %dma_start3A_235 = arith.constant 0 : i32
    %dma_start3A_236 = tpu.memref_slice %arg3[%add3A, %dma_start3A_229, %dma_start3A_235] : memref<32x104x128xi32, #tpu.memory_space<hbm>> -> memref<1x1x128xi32, #tpu.memory_space<hbm>>
    %dma_start3A_237 = tpu.memref_squeeze %dma_start3A_236 : memref<1x1x128xi32, #tpu.memory_space<hbm>> -> memref<128xi32, #tpu.memory_space<hbm>>
    %dma_start3A_238 = arith.constant 0 : i32
    %dma_start3A_239 = tpu.memref_slice %arg5[%dma_start3A_230, %dma_start3A_231, %dma_start3A_238] : memref<4x1x128xi32, #tpu.memory_space<vmem>> -> memref<1x1x128xi32, #tpu.memory_space<vmem>>
    %dma_start3A_240 = tpu.memref_squeeze %dma_start3A_239 : memref<1x1x128xi32, #tpu.memory_space<vmem>> -> memref<128xi32, #tpu.memory_space<vmem>>
    %dma_start3A_241 = arith.constant 0 : i32
    %dma_start3A_242 = tpu.memref_slice %arg3[%add3A, %dma_start3A_229, %dma_start3A_241] : memref<32x104x128xi32, #tpu.memory_space<hbm>> -> memref<1x1x128xi32, #tpu.memory_space<hbm>>
    %dma_start3A_243 = tpu.memref_squeeze %dma_start3A_242 : memref<1x1x128xi32, #tpu.memory_space<hbm>> -> memref<128xi32, #tpu.memory_space<hbm>>
    tpu.enqueue_dma source(%dma_start3A_243 : memref<128xi32, #tpu.memory_space<hbm>>) target(%dma_start3A_240 : memref<128xi32, #tpu.memory_space<vmem>>) target_semaphore(%arg8 : memref<!tpu.dma_semaphore, #tpu.memory_space<semaphore_mem>>)
    %dma_wait3A_244 = arith.constant 0 : i32
    %dma_wait3A_245 = arith.constant 3 : i32
    %dma_wait3A_246 = arith.constant 0 : i32
    %dma_wait3A_247 = arith.constant 0 : i32
    %dma_wait3A_248 = tpu.memref_slice %arg5[%dma_wait3A_245, %dma_wait3A_246, %dma_wait3A_247] : memref<4x1x128xi32, #tpu.memory_space<vmem>> -> memref<1x1x128xi32, #tpu.memory_space<vmem>>
    %dma_wait3A_249 = tpu.memref_squeeze %dma_wait3A_248 : memref<1x1x128xi32, #tpu.memory_space<vmem>> -> memref<128xi32, #tpu.memory_space<vmem>>
    %dma_wait3A_250 = arith.constant 0 : i32
    %dma_wait3A_251 = tpu.memref_slice %arg3[%add3A, %dma_wait3A_244, %dma_wait3A_250] : memref<32x104x128xi32, #tpu.memory_space<hbm>> -> memref<1x1x128xi32, #tpu.memory_space<hbm>>
    %dma_wait3A_252 = tpu.memref_squeeze %dma_wait3A_251 : memref<1x1x128xi32, #tpu.memory_space<hbm>> -> memref<128xi32, #tpu.memory_space<hbm>>
    %dma_wait3A_253 = arith.constant 0 : i32
    %dma_wait3A_254 = tpu.memref_slice %arg5[%dma_wait3A_245, %dma_wait3A_246, %dma_wait3A_253] : memref<4x1x128xi32, #tpu.memory_space<vmem>> -> memref<1x1x128xi32, #tpu.memory_space<vmem>>
    %dma_wait3A_255 = tpu.memref_squeeze %dma_wait3A_254 : memref<1x1x128xi32, #tpu.memory_space<vmem>> -> memref<128xi32, #tpu.memory_space<vmem>>
    %dma_wait3A_256 = arith.constant 0 : i32
    %dma_wait3A_257 = tpu.memref_slice %arg3[%add3A, %dma_wait3A_244, %dma_wait3A_256] : memref<32x104x128xi32, #tpu.memory_space<hbm>> -> memref<1x1x128xi32, #tpu.memory_space<hbm>>
    %dma_wait3A_258 = tpu.memref_squeeze %dma_wait3A_257 : memref<1x1x128xi32, #tpu.memory_space<hbm>> -> memref<128xi32, #tpu.memory_space<hbm>>
    tpu.wait_dma2 semaphore(%arg10 : memref<!tpu.dma_semaphore, #tpu.memory_space<semaphore_mem>>) src(%dma_wait3A_258 : memref<128xi32, #tpu.memory_space<hbm>>) dst(%dma_wait3A_255 : memref<128xi32, #tpu.memory_space<vmem>>)
    %dma_wait3A_259 = arith.constant 1 : i32
    %dma_wait3A_260 = arith.constant 0 : i32
    %dma_wait3A_261 = arith.constant 0 : i32
    %dma_wait3A_262 = tpu.memref_slice %arg6[%dma_wait3A_259, %dma_wait3A_260, %dma_wait3A_261] : memref<2x128x32xf32, #tpu.memory_space<vmem>> -> memref<1x128x32xf32, #tpu.memory_space<vmem>>
    %dma_wait3A_263 = tpu.memref_squeeze %dma_wait3A_262 : memref<1x128x32xf32, #tpu.memory_space<vmem>> -> memref<128x32xf32, #tpu.memory_space<vmem>>
    %dma_wait3A_264 = arith.constant 0 : i32
    %dma_wait3A_265 = tpu.memref_slice %arg4[%mul3A_2, %dma_wait3A_264] : memref<425984x32xf32, #tpu.memory_space<hbm>> -> memref<128x32xf32, #tpu.memory_space<hbm>>
    %dma_wait3A_266 = arith.constant 0 : i32
    %dma_wait3A_267 = tpu.memref_slice %arg4[%mul3A_2, %dma_wait3A_266] : memref<425984x32xf32, #tpu.memory_space<hbm>> -> memref<128x32xf32, #tpu.memory_space<hbm>>
    %dma_wait3A_268 = arith.constant 0 : i32
    %dma_wait3A_269 = arith.constant 0 : i32
    %dma_wait3A_270 = tpu.memref_slice %arg6[%dma_wait3A_259, %dma_wait3A_268, %dma_wait3A_269] : memref<2x128x32xf32, #tpu.memory_space<vmem>> -> memref<1x128x32xf32, #tpu.memory_space<vmem>>
    %dma_wait3A_271 = tpu.memref_squeeze %dma_wait3A_270 : memref<1x128x32xf32, #tpu.memory_space<vmem>> -> memref<128x32xf32, #tpu.memory_space<vmem>>
    tpu.wait_dma2 semaphore(%arg14 : memref<!tpu.dma_semaphore, #tpu.memory_space<semaphore_mem>>) src(%dma_wait3A_271 : memref<128x32xf32, #tpu.memory_space<vmem>>) dst(%dma_wait3A_267 : memref<128x32xf32, #tpu.memory_space<hbm>>)
    %dma_start3A_272 = arith.constant 3 : i32
    %dma_start3A_273 = arith.constant 0 : i32
    %dma_start3A_274 = arith.constant 1 : i32
    %dma_start3A_275 = arith.constant 0 : i32
    %dma_start3A_276 = arith.constant 0 : i32
    %dma_start3A_277 = tpu.memref_slice %arg6[%dma_start3A_274, %dma_start3A_275, %dma_start3A_276] : memref<2x128x32xf32, #tpu.memory_space<vmem>> -> memref<1x128x32xf32, #tpu.memory_space<vmem>>
    %dma_start3A_278 = tpu.memref_squeeze %dma_start3A_277 : memref<1x128x32xf32, #tpu.memory_space<vmem>> -> memref<128x32xf32, #tpu.memory_space<vmem>>
    %dma_start3A_279 = arith.constant 0 : i32
    %dma_start3A_280 = tpu.memref_slice %arg5[%dma_start3A_272, %dma_start3A_273, %dma_start3A_279] : memref<4x1x128xi32, #tpu.memory_space<vmem>> -> memref<1x1x128xi32, #tpu.memory_space<vmem>>
    %dma_start3A_281 = tpu.memref_squeeze %dma_start3A_280 : memref<1x1x128xi32, #tpu.memory_space<vmem>> -> memref<128xi32, #tpu.memory_space<vmem>>
    %dma_start3A_282 = arith.constant 0 : i32
    %dma_start3A_283 = arith.constant 0 : i32
    %dma_start3A_284 = tpu.memref_slice %arg2[%dma_start3A_282, %dma_start3A_283] : memref<2600000x32xf32, #tpu.memory_space<hbm>> -> memref<2600000x32xf32, #tpu.memory_space<hbm>>
    tpu.enqueue_indirect_dma source(%dma_start3A_284 : memref<2600000x32xf32, #tpu.memory_space<hbm>>) target(%dma_start3A_278 : memref<128x32xf32, #tpu.memory_space<vmem>>) offsets(%dma_start3A_281 : memref<128xi32, #tpu.memory_space<vmem>>) semaphore(%arg12 : memref<!tpu.dma_semaphore, #tpu.memory_space<semaphore_mem>>)
    %dma_wait3A_285 = arith.constant 0 : i32
    %dma_wait3A_286 = arith.constant 0 : i32
    %dma_wait3A_287 = arith.constant 0 : i32
    %dma_wait3A_288 = arith.constant 0 : i32
    %dma_wait3A_289 = arith.constant 0 : i32
    %dma_wait3A_290 = tpu.memref_slice %arg6[%dma_wait3A_287, %dma_wait3A_288, %dma_wait3A_289] : memref<2x128x32xf32, #tpu.memory_space<vmem>> -> memref<1x128x32xf32, #tpu.memory_space<vmem>>
    %dma_wait3A_291 = tpu.memref_squeeze %dma_wait3A_290 : memref<1x128x32xf32, #tpu.memory_space<vmem>> -> memref<128x32xf32, #tpu.memory_space<vmem>>
    %dma_wait3A_292 = arith.constant 0 : i32
    %dma_wait3A_293 = tpu.memref_slice %arg5[%dma_wait3A_285, %dma_wait3A_286, %dma_wait3A_292] : memref<4x1x128xi32, #tpu.memory_space<vmem>> -> memref<1x1x128xi32, #tpu.memory_space<vmem>>
    %dma_wait3A_294 = tpu.memref_squeeze %dma_wait3A_293 : memref<1x1x128xi32, #tpu.memory_space<vmem>> -> memref<128xi32, #tpu.memory_space<vmem>>
    %dma_wait3A_295 = arith.constant 0 : i32
    %dma_wait3A_296 = arith.constant 0 : i32
    %dma_wait3A_297 = tpu.memref_slice %arg2[%dma_wait3A_295, %dma_wait3A_296] : memref<2600000x32xf32, #tpu.memory_space<hbm>> -> memref<2600000x32xf32, #tpu.memory_space<hbm>>
    tpu.wait_indirect_dma semaphore(%arg11 : memref<!tpu.dma_semaphore, #tpu.memory_space<semaphore_mem>>) src(%dma_wait3A_297 : memref<2600000x32xf32, #tpu.memory_space<hbm>>) dst(%dma_wait3A_291 : memref<128x32xf32, #tpu.memory_space<vmem>>)
    %add3A_298 = arith.constant 256 : i32
    %add3A_299 = arith.addi %mul3A_2, %add3A_298 : i32
    %dma_start3A_300 = arith.constant 0 : i32
    %dma_start3A_301 = arith.constant 0 : i32
    %dma_start3A_302 = arith.constant 0 : i32
    %dma_start3A_303 = tpu.memref_slice %arg6[%dma_start3A_300, %dma_start3A_301, %dma_start3A_302] : memref<2x128x32xf32, #tpu.memory_space<vmem>> -> memref<1x128x32xf32, #tpu.memory_space<vmem>>
    %dma_start3A_304 = tpu.memref_squeeze %dma_start3A_303 : memref<1x128x32xf32, #tpu.memory_space<vmem>> -> memref<128x32xf32, #tpu.memory_space<vmem>>
    %dma_start3A_305 = arith.constant 0 : i32
    %dma_start3A_306 = tpu.memref_slice %arg4[%add3A_299, %dma_start3A_305] : memref<425984x32xf32, #tpu.memory_space<hbm>> -> memref<128x32xf32, #tpu.memory_space<hbm>>
    %dma_start3A_307 = arith.constant 0 : i32
    %dma_start3A_308 = tpu.memref_slice %arg4[%add3A_299, %dma_start3A_307] : memref<425984x32xf32, #tpu.memory_space<hbm>> -> memref<128x32xf32, #tpu.memory_space<hbm>>
    %dma_start3A_309 = arith.constant 0 : i32
    %dma_start3A_310 = arith.constant 0 : i32
    %dma_start3A_311 = tpu.memref_slice %arg6[%dma_start3A_300, %dma_start3A_309, %dma_start3A_310] : memref<2x128x32xf32, #tpu.memory_space<vmem>> -> memref<1x128x32xf32, #tpu.memory_space<vmem>>
    %dma_start3A_312 = tpu.memref_squeeze %dma_start3A_311 : memref<1x128x32xf32, #tpu.memory_space<vmem>> -> memref<128x32xf32, #tpu.memory_space<vmem>>
    tpu.enqueue_dma source(%dma_start3A_312 : memref<128x32xf32, #tpu.memory_space<vmem>>) target(%dma_start3A_308 : memref<128x32xf32, #tpu.memory_space<hbm>>) target_semaphore(%arg13 : memref<!tpu.dma_semaphore, #tpu.memory_space<semaphore_mem>>)
    %dma_start3A_313 = arith.constant 6 : i32
    %dma_start3A_314 = arith.constant 2 : i32
    %dma_start3A_315 = arith.constant 0 : i32
    %dma_start3A_316 = arith.constant 0 : i32
    %dma_start3A_317 = tpu.memref_slice %arg5[%dma_start3A_314, %dma_start3A_315, %dma_start3A_316] : memref<4x1x128xi32, #tpu.memory_space<vmem>> -> memref<1x1x128xi32, #tpu.memory_space<vmem>>
    %dma_start3A_318 = tpu.memref_squeeze %dma_start3A_317 : memref<1x1x128xi32, #tpu.memory_space<vmem>> -> memref<128xi32, #tpu.memory_space<vmem>>
    %dma_start3A_319 = arith.constant 0 : i32
    %dma_start3A_320 = tpu.memref_slice %arg3[%add3A, %dma_start3A_313, %dma_start3A_319] : memref<32x104x128xi32, #tpu.memory_space<hbm>> -> memref<1x1x128xi32, #tpu.memory_space<hbm>>
    %dma_start3A_321 = tpu.memref_squeeze %dma_start3A_320 : memref<1x1x128xi32, #tpu.memory_space<hbm>> -> memref<128xi32, #tpu.memory_space<hbm>>
    %dma_start3A_322 = arith.constant 0 : i32
    %dma_start3A_323 = tpu.memref_slice %arg5[%dma_start3A_314, %dma_start3A_315, %dma_start3A_322] : memref<4x1x128xi32, #tpu.memory_space<vmem>> -> memref<1x1x128xi32, #tpu.memory_space<vmem>>
    %dma_start3A_324 = tpu.memref_squeeze %dma_start3A_323 : memref<1x1x128xi32, #tpu.memory_space<vmem>> -> memref<128xi32, #tpu.memory_space<vmem>>
    %dma_start3A_325 = arith.constant 0 : i32
    %dma_start3A_326 = tpu.memref_slice %arg3[%add3A, %dma_start3A_313, %dma_start3A_325] : memref<32x104x128xi32, #tpu.memory_space<hbm>> -> memref<1x1x128xi32, #tpu.memory_space<hbm>>
    %dma_start3A_327 = tpu.memref_squeeze %dma_start3A_326 : memref<1x1x128xi32, #tpu.memory_space<hbm>> -> memref<128xi32, #tpu.memory_space<hbm>>
    tpu.enqueue_dma source(%dma_start3A_327 : memref<128xi32, #tpu.memory_space<hbm>>) target(%dma_start3A_324 : memref<128xi32, #tpu.memory_space<vmem>>) target_semaphore(%arg9 : memref<!tpu.dma_semaphore, #tpu.memory_space<semaphore_mem>>)
    %dma_wait3A_328 = arith.constant 0 : i32
    %dma_wait3A_329 = arith.constant 0 : i32
    %dma_wait3A_330 = arith.constant 0 : i32
    %dma_wait3A_331 = arith.constant 0 : i32
    %dma_wait3A_332 = tpu.memref_slice %arg5[%dma_wait3A_329, %dma_wait3A_330, %dma_wait3A_331] : memref<4x1x128xi32, #tpu.memory_space<vmem>> -> memref<1x1x128xi32, #tpu.memory_space<vmem>>
    %dma_wait3A_333 = tpu.memref_squeeze %dma_wait3A_332 : memref<1x1x128xi32, #tpu.memory_space<vmem>> -> memref<128xi32, #tpu.memory_space<vmem>>
    %dma_wait3A_334 = arith.constant 0 : i32
    %dma_wait3A_335 = tpu.memref_slice %arg3[%add3A, %dma_wait3A_328, %dma_wait3A_334] : memref<32x104x128xi32, #tpu.memory_space<hbm>> -> memref<1x1x128xi32, #tpu.memory_space<hbm>>
    %dma_wait3A_336 = tpu.memref_squeeze %dma_wait3A_335 : memref<1x1x128xi32, #tpu.memory_space<hbm>> -> memref<128xi32, #tpu.memory_space<hbm>>
    %dma_wait3A_337 = arith.constant 0 : i32
    %dma_wait3A_338 = tpu.memref_slice %arg5[%dma_wait3A_329, %dma_wait3A_330, %dma_wait3A_337] : memref<4x1x128xi32, #tpu.memory_space<vmem>> -> memref<1x1x128xi32, #tpu.memory_space<vmem>>
    %dma_wait3A_339 = tpu.memref_squeeze %dma_wait3A_338 : memref<1x1x128xi32, #tpu.memory_space<vmem>> -> memref<128xi32, #tpu.memory_space<vmem>>
    %dma_wait3A_340 = arith.constant 0 : i32
    %dma_wait3A_341 = tpu.memref_slice %arg3[%add3A, %dma_wait3A_328, %dma_wait3A_340] : memref<32x104x128xi32, #tpu.memory_space<hbm>> -> memref<1x1x128xi32, #tpu.memory_space<hbm>>
    %dma_wait3A_342 = tpu.memref_squeeze %dma_wait3A_341 : memref<1x1x128xi32, #tpu.memory_space<hbm>> -> memref<128xi32, #tpu.memory_space<hbm>>
    tpu.wait_dma2 semaphore(%arg7 : memref<!tpu.dma_semaphore, #tpu.memory_space<semaphore_mem>>) src(%dma_wait3A_342 : memref<128xi32, #tpu.memory_space<hbm>>) dst(%dma_wait3A_339 : memref<128xi32, #tpu.memory_space<vmem>>)
    %dma_wait3A_343 = arith.constant 0 : i32
    %dma_wait3A_344 = arith.constant 0 : i32
    %dma_wait3A_345 = arith.constant 0 : i32
    %dma_wait3A_346 = tpu.memref_slice %arg6[%dma_wait3A_343, %dma_wait3A_344, %dma_wait3A_345] : memref<2x128x32xf32, #tpu.memory_space<vmem>> -> memref<1x128x32xf32, #tpu.memory_space<vmem>>
    %dma_wait3A_347 = tpu.memref_squeeze %dma_wait3A_346 : memref<1x128x32xf32, #tpu.memory_space<vmem>> -> memref<128x32xf32, #tpu.memory_space<vmem>>
    %dma_wait3A_348 = arith.constant 0 : i32
    %dma_wait3A_349 = tpu.memref_slice %arg4[%mul3A_2, %dma_wait3A_348] : memref<425984x32xf32, #tpu.memory_space<hbm>> -> memref<128x32xf32, #tpu.memory_space<hbm>>
    %dma_wait3A_350 = arith.constant 0 : i32
    %dma_wait3A_351 = tpu.memref_slice %arg4[%mul3A_2, %dma_wait3A_350] : memref<425984x32xf32, #tpu.memory_space<hbm>> -> memref<128x32xf32, #tpu.memory_space<hbm>>
    %dma_wait3A_352 = arith.constant 0 : i32
    %dma_wait3A_353 = arith.constant 0 : i32
    %dma_wait3A_354 = tpu.memref_slice %arg6[%dma_wait3A_343, %dma_wait3A_352, %dma_wait3A_353] : memref<2x128x32xf32, #tpu.memory_space<vmem>> -> memref<1x128x32xf32, #tpu.memory_space<vmem>>
    %dma_wait3A_355 = tpu.memref_squeeze %dma_wait3A_354 : memref<1x128x32xf32, #tpu.memory_space<vmem>> -> memref<128x32xf32, #tpu.memory_space<vmem>>
    tpu.wait_dma2 semaphore(%arg13 : memref<!tpu.dma_semaphore, #tpu.memory_space<semaphore_mem>>) src(%dma_wait3A_355 : memref<128x32xf32, #tpu.memory_space<vmem>>) dst(%dma_wait3A_351 : memref<128x32xf32, #tpu.memory_space<hbm>>)
    %dma_start3A_356 = arith.constant 0 : i32
    %dma_start3A_357 = arith.constant 0 : i32
    %dma_start3A_358 = arith.constant 0 : i32
    %dma_start3A_359 = arith.constant 0 : i32
    %dma_start3A_360 = arith.constant 0 : i32
    %dma_start3A_361 = tpu.memref_slice %arg6[%dma_start3A_358, %dma_start3A_359, %dma_start3A_360] : memref<2x128x32xf32, #tpu.memory_space<vmem>> -> memref<1x128x32xf32, #tpu.memory_space<vmem>>
    %dma_start3A_362 = tpu.memref_squeeze %dma_start3A_361 : memref<1x128x32xf32, #tpu.memory_space<vmem>> -> memref<128x32xf32, #tpu.memory_space<vmem>>
    %dma_start3A_363 = arith.constant 0 : i32
    %dma_start3A_364 = tpu.memref_slice %arg5[%dma_start3A_356, %dma_start3A_357, %dma_start3A_363] : memref<4x1x128xi32, #tpu.memory_space<vmem>> -> memref<1x1x128xi32, #tpu.memory_space<vmem>>
    %dma_start3A_365 = tpu.memref_squeeze %dma_start3A_364 : memref<1x1x128xi32, #tpu.memory_space<vmem>> -> memref<128xi32, #tpu.memory_space<vmem>>
    %dma_start3A_366 = arith.constant 0 : i32
    %dma_start3A_367 = arith.constant 0 : i32
    %dma_start3A_368 = tpu.memref_slice %arg2[%dma_start3A_366, %dma_start3A_367] : memref<2600000x32xf32, #tpu.memory_space<hbm>> -> memref<2600000x32xf32, #tpu.memory_space<hbm>>
    tpu.enqueue_indirect_dma source(%dma_start3A_368 : memref<2600000x32xf32, #tpu.memory_space<hbm>>) target(%dma_start3A_362 : memref<128x32xf32, #tpu.memory_space<vmem>>) offsets(%dma_start3A_365 : memref<128xi32, #tpu.memory_space<vmem>>) semaphore(%arg11 : memref<!tpu.dma_semaphore, #tpu.memory_space<semaphore_mem>>)
    %dma_wait3A_369 = arith.constant 0 : i32
    %dma_wait3A_370 = arith.constant 0 : i32
    %dma_wait3A_371 = arith.constant 1 : i32
    %dma_wait3A_372 = arith.constant 0 : i32
    %dma_wait3A_373 = arith.constant 0 : i32
    %dma_wait3A_374 = tpu.memref_slice %arg6[%dma_wait3A_371, %dma_wait3A_372, %dma_wait3A_373] : memref<2x128x32xf32, #tpu.memory_space<vmem>> -> memref<1x128x32xf32, #tpu.memory_space<vmem>>
    %dma_wait3A_375 = tpu.memref_squeeze %dma_wait3A_374 : memref<1x128x32xf32, #tpu.memory_space<vmem>> -> memref<128x32xf32, #tpu.memory_space<vmem>>
    %dma_wait3A_376 = arith.constant 0 : i32
    %dma_wait3A_377 = tpu.memref_slice %arg5[%dma_wait3A_369, %dma_wait3A_370, %dma_wait3A_376] : memref<4x1x128xi32, #tpu.memory_space<vmem>> -> memref<1x1x128xi32, #tpu.memory_space<vmem>>
    %dma_wait3A_378 = tpu.memref_squeeze %dma_wait3A_377 : memref<1x1x128xi32, #tpu.memory_space<vmem>> -> memref<128xi32, #tpu.memory_space<vmem>>
    %dma_wait3A_379 = arith.constant 0 : i32
    %dma_wait3A_380 = arith.constant 0 : i32
    %dma_wait3A_381 = tpu.memref_slice %arg2[%dma_wait3A_379, %dma_wait3A_380] : memref<2600000x32xf32, #tpu.memory_space<hbm>> -> memref<2600000x32xf32, #tpu.memory_space<hbm>>
    tpu.wait_indirect_dma semaphore(%arg12 : memref<!tpu.dma_semaphore, #tpu.memory_space<semaphore_mem>>) src(%dma_wait3A_381 : memref<2600000x32xf32, #tpu.memory_space<hbm>>) dst(%dma_wait3A_375 : memref<128x32xf32, #tpu.memory_space<vmem>>)
    %add3A_382 = arith.constant 384 : i32
    %add3A_383 = arith.addi %mul3A_2, %add3A_382 : i32
    %dma_start3A_384 = arith.constant 1 : i32
    %dma_start3A_385 = arith.constant 0 : i32
    %dma_start3A_386 = arith.constant 0 : i32
    %dma_start3A_387 = tpu.memref_slice %arg6[%dma_start3A_384, %dma_start3A_385, %dma_start3A_386] : memref<2x128x32xf32, #tpu.memory_space<vmem>> -> memref<1x128x32xf32, #tpu.memory_space<vmem>>
    %dma_start3A_388 = tpu.memref_squeeze %dma_start3A_387 : memref<1x128x32xf32, #tpu.memory_space<vmem>> -> memref<128x32xf32, #tpu.memory_space<vmem>>
    %dma_start3A_389 = arith.constant 0 : i32
    %dma_start3A_390 = tpu.memref_slice %arg4[%add3A_383, %dma_start3A_389] : memref<425984x32xf32, #tpu.memory_space<hbm>> -> memref<128x32xf32, #tpu.memory_space<hbm>>
    %dma_start3A_391 = arith.constant 0 : i32
    %dma_start3A_392 = tpu.memref_slice %arg4[%add3A_383, %dma_start3A_391] : memref<425984x32xf32, #tpu.memory_space<hbm>> -> memref<128x32xf32, #tpu.memory_space<hbm>>
    %dma_start3A_393 = arith.constant 0 : i32
    %dma_start3A_394 = arith.constant 0 : i32
    %dma_start3A_395 = tpu.memref_slice %arg6[%dma_start3A_384, %dma_start3A_393, %dma_start3A_394] : memref<2x128x32xf32, #tpu.memory_space<vmem>> -> memref<1x128x32xf32, #tpu.memory_space<vmem>>
    %dma_start3A_396 = tpu.memref_squeeze %dma_start3A_395 : memref<1x128x32xf32, #tpu.memory_space<vmem>> -> memref<128x32xf32, #tpu.memory_space<vmem>>
    tpu.enqueue_dma source(%dma_start3A_396 : memref<128x32xf32, #tpu.memory_space<vmem>>) target(%dma_start3A_392 : memref<128x32xf32, #tpu.memory_space<hbm>>) target_semaphore(%arg14 : memref<!tpu.dma_semaphore, #tpu.memory_space<semaphore_mem>>)
    %dma_start3A_397 = arith.constant 7 : i32
    %dma_start3A_398 = arith.constant 3 : i32
    %dma_start3A_399 = arith.constant 0 : i32
    %dma_start3A_400 = arith.constant 0 : i32
    %dma_start3A_401 = tpu.memref_slice %arg5[%dma_start3A_398, %dma_start3A_399, %dma_start3A_400] : memref<4x1x128xi32, #tpu.memory_space<vmem>> -> memref<1x1x128xi32, #tpu.memory_space<vmem>>
    %dma_start3A_402 = tpu.memref_squeeze %dma_start3A_401 : memref<1x1x128xi32, #tpu.memory_space<vmem>> -> memref<128xi32, #tpu.memory_space<vmem>>
    %dma_start3A_403 = arith.constant 0 : i32
    %dma_start3A_404 = tpu.memref_slice %arg3[%add3A, %dma_start3A_397, %dma_start3A_403] : memref<32x104x128xi32, #tpu.memory_space<hbm>> -> memref<1x1x128xi32, #tpu.memory_space<hbm>>
    %dma_start3A_405 = tpu.memref_squeeze %dma_start3A_404 : memref<1x1x128xi32, #tpu.memory_space<hbm>> -> memref<128xi32, #tpu.memory_space<hbm>>
    %dma_start3A_406 = arith.constant 0 : i32
    %dma_start3A_407 = tpu.memref_slice %arg5[%dma_start3A_398, %dma_start3A_399, %dma_start3A_406] : memref<4x1x128xi32, #tpu.memory_space<vmem>> -> memref<1x1x128xi32, #tpu.memory_space<vmem>>
    %dma_start3A_408 = tpu.memref_squeeze %dma_start3A_407 : memref<1x1x128xi32, #tpu.memory_space<vmem>> -> memref<128xi32, #tpu.memory_space<vmem>>
    %dma_start3A_409 = arith.constant 0 : i32
    %dma_start3A_410 = tpu.memref_slice %arg3[%add3A, %dma_start3A_397, %dma_start3A_409] : memref<32x104x128xi32, #tpu.memory_space<hbm>> -> memref<1x1x128xi32, #tpu.memory_space<hbm>>
    %dma_start3A_411 = tpu.memref_squeeze %dma_start3A_410 : memref<1x1x128xi32, #tpu.memory_space<hbm>> -> memref<128xi32, #tpu.memory_space<hbm>>
    tpu.enqueue_dma source(%dma_start3A_411 : memref<128xi32, #tpu.memory_space<hbm>>) target(%dma_start3A_408 : memref<128xi32, #tpu.memory_space<vmem>>) target_semaphore(%arg10 : memref<!tpu.dma_semaphore, #tpu.memory_space<semaphore_mem>>)
    %scan3A = arith.constant 0 : i32
    %scan3A_412 = arith.constant 24 : i32
    %scan3A_413 = arith.addi %scan3A, %scan3A_412 : i32
    %scan3A_414 = arith.constant 1 : i32
    scf.for %scan3A_677 = %scan3A to %scan3A_413 step %scan3A_414  : i32 {
      %mul3A_678 = arith.constant 1 : i32
      %mul3A_679 = arith.muli %scan3A_677, %mul3A_678 : i32
      %add3A_680 = arith.constant 1 : i32
      %add3A_681 = arith.addi %add3A_680, %mul3A_679 : i32
      %mul3A_682 = arith.constant 4 : i32
      %mul3A_683 = arith.muli %mul3A_682, %add3A_681 : i32
      %add3A_684 = arith.constant 0 : i32
      %add3A_685 = arith.addi %mul3A_683, %add3A_684 : i32
      %dma_wait3A_686 = arith.constant 0 : i32
      %dma_wait3A_687 = arith.constant 1 : i32
      %dma_wait3A_688 = arith.constant 0 : i32
      %dma_wait3A_689 = arith.constant 0 : i32
      %dma_wait3A_690 = tpu.memref_slice %arg5[%dma_wait3A_687, %dma_wait3A_688, %dma_wait3A_689] : memref<4x1x128xi32, #tpu.memory_space<vmem>> -> memref<1x1x128xi32, #tpu.memory_space<vmem>>
      %dma_wait3A_691 = tpu.memref_squeeze %dma_wait3A_690 : memref<1x1x128xi32, #tpu.memory_space<vmem>> -> memref<128xi32, #tpu.memory_space<vmem>>
      %dma_wait3A_692 = arith.constant 0 : i32
      %dma_wait3A_693 = tpu.memref_slice %arg3[%add3A, %dma_wait3A_686, %dma_wait3A_692] : memref<32x104x128xi32, #tpu.memory_space<hbm>> -> memref<1x1x128xi32, #tpu.memory_space<hbm>>
      %dma_wait3A_694 = tpu.memref_squeeze %dma_wait3A_693 : memref<1x1x128xi32, #tpu.memory_space<hbm>> -> memref<128xi32, #tpu.memory_space<hbm>>
      %dma_wait3A_695 = arith.constant 0 : i32
      %dma_wait3A_696 = tpu.memref_slice %arg5[%dma_wait3A_687, %dma_wait3A_688, %dma_wait3A_695] : memref<4x1x128xi32, #tpu.memory_space<vmem>> -> memref<1x1x128xi32, #tpu.memory_space<vmem>>
      %dma_wait3A_697 = tpu.memref_squeeze %dma_wait3A_696 : memref<1x1x128xi32, #tpu.memory_space<vmem>> -> memref<128xi32, #tpu.memory_space<vmem>>
      %dma_wait3A_698 = arith.constant 0 : i32
      %dma_wait3A_699 = tpu.memref_slice %arg3[%add3A, %dma_wait3A_686, %dma_wait3A_698] : memref<32x104x128xi32, #tpu.memory_space<hbm>> -> memref<1x1x128xi32, #tpu.memory_space<hbm>>
      %dma_wait3A_700 = tpu.memref_squeeze %dma_wait3A_699 : memref<1x1x128xi32, #tpu.memory_space<hbm>> -> memref<128xi32, #tpu.memory_space<hbm>>
      tpu.wait_dma2 semaphore(%arg8 : memref<!tpu.dma_semaphore, #tpu.memory_space<semaphore_mem>>) src(%dma_wait3A_700 : memref<128xi32, #tpu.memory_space<hbm>>) dst(%dma_wait3A_697 : memref<128xi32, #tpu.memory_space<vmem>>)
      %dma_wait3A_701 = arith.constant 1 : i32
      %dma_wait3A_702 = arith.constant 0 : i32
      %dma_wait3A_703 = arith.constant 0 : i32
      %dma_wait3A_704 = tpu.memref_slice %arg6[%dma_wait3A_701, %dma_wait3A_702, %dma_wait3A_703] : memref<2x128x32xf32, #tpu.memory_space<vmem>> -> memref<1x128x32xf32, #tpu.memory_space<vmem>>
      %dma_wait3A_705 = tpu.memref_squeeze %dma_wait3A_704 : memref<1x128x32xf32, #tpu.memory_space<vmem>> -> memref<128x32xf32, #tpu.memory_space<vmem>>
      %dma_wait3A_706 = arith.constant 0 : i32
      %dma_wait3A_707 = tpu.memref_slice %arg4[%mul3A_2, %dma_wait3A_706] : memref<425984x32xf32, #tpu.memory_space<hbm>> -> memref<128x32xf32, #tpu.memory_space<hbm>>
      %dma_wait3A_708 = arith.constant 0 : i32
      %dma_wait3A_709 = tpu.memref_slice %arg4[%mul3A_2, %dma_wait3A_708] : memref<425984x32xf32, #tpu.memory_space<hbm>> -> memref<128x32xf32, #tpu.memory_space<hbm>>
      %dma_wait3A_710 = arith.constant 0 : i32
      %dma_wait3A_711 = arith.constant 0 : i32
      %dma_wait3A_712 = tpu.memref_slice %arg6[%dma_wait3A_701, %dma_wait3A_710, %dma_wait3A_711] : memref<2x128x32xf32, #tpu.memory_space<vmem>> -> memref<1x128x32xf32, #tpu.memory_space<vmem>>
      %dma_wait3A_713 = tpu.memref_squeeze %dma_wait3A_712 : memref<1x128x32xf32, #tpu.memory_space<vmem>> -> memref<128x32xf32, #tpu.memory_space<vmem>>
      tpu.wait_dma2 semaphore(%arg14 : memref<!tpu.dma_semaphore, #tpu.memory_space<semaphore_mem>>) src(%dma_wait3A_713 : memref<128x32xf32, #tpu.memory_space<vmem>>) dst(%dma_wait3A_709 : memref<128x32xf32, #tpu.memory_space<hbm>>)
      %dma_start3A_714 = arith.constant 1 : i32
      %dma_start3A_715 = arith.constant 0 : i32
      %dma_start3A_716 = arith.constant 1 : i32
      %dma_start3A_717 = arith.constant 0 : i32
      %dma_start3A_718 = arith.constant 0 : i32
      %dma_start3A_719 = tpu.memref_slice %arg6[%dma_start3A_716, %dma_start3A_717, %dma_start3A_718] : memref<2x128x32xf32, #tpu.memory_space<vmem>> -> memref<1x128x32xf32, #tpu.memory_space<vmem>>
      %dma_start3A_720 = tpu.memref_squeeze %dma_start3A_719 : memref<1x128x32xf32, #tpu.memory_space<vmem>> -> memref<128x32xf32, #tpu.memory_space<vmem>>
      %dma_start3A_721 = arith.constant 0 : i32
      %dma_start3A_722 = tpu.memref_slice %arg5[%dma_start3A_714, %dma_start3A_715, %dma_start3A_721] : memref<4x1x128xi32, #tpu.memory_space<vmem>> -> memref<1x1x128xi32, #tpu.memory_space<vmem>>
      %dma_start3A_723 = tpu.memref_squeeze %dma_start3A_722 : memref<1x1x128xi32, #tpu.memory_space<vmem>> -> memref<128xi32, #tpu.memory_space<vmem>>
      %dma_start3A_724 = arith.constant 0 : i32
      %dma_start3A_725 = arith.constant 0 : i32
      %dma_start3A_726 = tpu.memref_slice %arg2[%dma_start3A_724, %dma_start3A_725] : memref<2600000x32xf32, #tpu.memory_space<hbm>> -> memref<2600000x32xf32, #tpu.memory_space<hbm>>
      tpu.enqueue_indirect_dma source(%dma_start3A_726 : memref<2600000x32xf32, #tpu.memory_space<hbm>>) target(%dma_start3A_720 : memref<128x32xf32, #tpu.memory_space<vmem>>) offsets(%dma_start3A_723 : memref<128xi32, #tpu.memory_space<vmem>>) semaphore(%arg12 : memref<!tpu.dma_semaphore, #tpu.memory_space<semaphore_mem>>)
      %dma_wait3A_727 = arith.constant 0 : i32
      %dma_wait3A_728 = arith.constant 0 : i32
      %dma_wait3A_729 = arith.constant 0 : i32
      %dma_wait3A_730 = arith.constant 0 : i32
      %dma_wait3A_731 = arith.constant 0 : i32
      %dma_wait3A_732 = tpu.memref_slice %arg6[%dma_wait3A_729, %dma_wait3A_730, %dma_wait3A_731] : memref<2x128x32xf32, #tpu.memory_space<vmem>> -> memref<1x128x32xf32, #tpu.memory_space<vmem>>
      %dma_wait3A_733 = tpu.memref_squeeze %dma_wait3A_732 : memref<1x128x32xf32, #tpu.memory_space<vmem>> -> memref<128x32xf32, #tpu.memory_space<vmem>>
      %dma_wait3A_734 = arith.constant 0 : i32
      %dma_wait3A_735 = tpu.memref_slice %arg5[%dma_wait3A_727, %dma_wait3A_728, %dma_wait3A_734] : memref<4x1x128xi32, #tpu.memory_space<vmem>> -> memref<1x1x128xi32, #tpu.memory_space<vmem>>
      %dma_wait3A_736 = tpu.memref_squeeze %dma_wait3A_735 : memref<1x1x128xi32, #tpu.memory_space<vmem>> -> memref<128xi32, #tpu.memory_space<vmem>>
      %dma_wait3A_737 = arith.constant 0 : i32
      %dma_wait3A_738 = arith.constant 0 : i32
      %dma_wait3A_739 = tpu.memref_slice %arg2[%dma_wait3A_737, %dma_wait3A_738] : memref<2600000x32xf32, #tpu.memory_space<hbm>> -> memref<2600000x32xf32, #tpu.memory_space<hbm>>
      tpu.wait_indirect_dma semaphore(%arg11 : memref<!tpu.dma_semaphore, #tpu.memory_space<semaphore_mem>>) src(%dma_wait3A_739 : memref<2600000x32xf32, #tpu.memory_space<hbm>>) dst(%dma_wait3A_733 : memref<128x32xf32, #tpu.memory_space<vmem>>)
      %mul3A_740 = arith.constant 128 : i32
      %mul3A_741 = arith.muli %add3A_685, %mul3A_740 : i32
      %add3A_742 = arith.addi %mul3A_2, %mul3A_741 : i32
      %dma_start3A_743 = arith.constant 0 : i32
      %dma_start3A_744 = arith.constant 0 : i32
      %dma_start3A_745 = arith.constant 0 : i32
      %dma_start3A_746 = tpu.memref_slice %arg6[%dma_start3A_743, %dma_start3A_744, %dma_start3A_745] : memref<2x128x32xf32, #tpu.memory_space<vmem>> -> memref<1x128x32xf32, #tpu.memory_space<vmem>>
      %dma_start3A_747 = tpu.memref_squeeze %dma_start3A_746 : memref<1x128x32xf32, #tpu.memory_space<vmem>> -> memref<128x32xf32, #tpu.memory_space<vmem>>
      %dma_start3A_748 = arith.constant 0 : i32
      %dma_start3A_749 = tpu.memref_slice %arg4[%add3A_742, %dma_start3A_748] : memref<425984x32xf32, #tpu.memory_space<hbm>> -> memref<128x32xf32, #tpu.memory_space<hbm>>
      %dma_start3A_750 = arith.constant 0 : i32
      %dma_start3A_751 = tpu.memref_slice %arg4[%add3A_742, %dma_start3A_750] : memref<425984x32xf32, #tpu.memory_space<hbm>> -> memref<128x32xf32, #tpu.memory_space<hbm>>
      %dma_start3A_752 = arith.constant 0 : i32
      %dma_start3A_753 = arith.constant 0 : i32
      %dma_start3A_754 = tpu.memref_slice %arg6[%dma_start3A_743, %dma_start3A_752, %dma_start3A_753] : memref<2x128x32xf32, #tpu.memory_space<vmem>> -> memref<1x128x32xf32, #tpu.memory_space<vmem>>
      %dma_start3A_755 = tpu.memref_squeeze %dma_start3A_754 : memref<1x128x32xf32, #tpu.memory_space<vmem>> -> memref<128x32xf32, #tpu.memory_space<vmem>>
      tpu.enqueue_dma source(%dma_start3A_755 : memref<128x32xf32, #tpu.memory_space<vmem>>) target(%dma_start3A_751 : memref<128x32xf32, #tpu.memory_space<hbm>>) target_semaphore(%arg13 : memref<!tpu.dma_semaphore, #tpu.memory_space<semaphore_mem>>)
      %add3A_756 = arith.constant 4 : i32
      %add3A_757 = arith.addi %add3A_685, %add3A_756 : i32
      %dma_start3A_758 = arith.constant 0 : i32
      %dma_start3A_759 = arith.constant 0 : i32
      %dma_start3A_760 = arith.constant 0 : i32
      %dma_start3A_761 = tpu.memref_slice %arg5[%dma_start3A_758, %dma_start3A_759, %dma_start3A_760] : memref<4x1x128xi32, #tpu.memory_space<vmem>> -> memref<1x1x128xi32, #tpu.memory_space<vmem>>
      %dma_start3A_762 = tpu.memref_squeeze %dma_start3A_761 : memref<1x1x128xi32, #tpu.memory_space<vmem>> -> memref<128xi32, #tpu.memory_space<vmem>>
      %dma_start3A_763 = arith.constant 0 : i32
      %dma_start3A_764 = tpu.memref_slice %arg3[%add3A, %add3A_757, %dma_start3A_763] : memref<32x104x128xi32, #tpu.memory_space<hbm>> -> memref<1x1x128xi32, #tpu.memory_space<hbm>>
      %dma_start3A_765 = tpu.memref_squeeze %dma_start3A_764 : memref<1x1x128xi32, #tpu.memory_space<hbm>> -> memref<128xi32, #tpu.memory_space<hbm>>
      %dma_start3A_766 = arith.constant 0 : i32
      %dma_start3A_767 = tpu.memref_slice %arg5[%dma_start3A_758, %dma_start3A_759, %dma_start3A_766] : memref<4x1x128xi32, #tpu.memory_space<vmem>> -> memref<1x1x128xi32, #tpu.memory_space<vmem>>
      %dma_start3A_768 = tpu.memref_squeeze %dma_start3A_767 : memref<1x1x128xi32, #tpu.memory_space<vmem>> -> memref<128xi32, #tpu.memory_space<vmem>>
      %dma_start3A_769 = arith.constant 0 : i32
      %dma_start3A_770 = tpu.memref_slice %arg3[%add3A, %add3A_757, %dma_start3A_769] : memref<32x104x128xi32, #tpu.memory_space<hbm>> -> memref<1x1x128xi32, #tpu.memory_space<hbm>>
      %dma_start3A_771 = tpu.memref_squeeze %dma_start3A_770 : memref<1x1x128xi32, #tpu.memory_space<hbm>> -> memref<128xi32, #tpu.memory_space<hbm>>
      tpu.enqueue_dma source(%dma_start3A_771 : memref<128xi32, #tpu.memory_space<hbm>>) target(%dma_start3A_768 : memref<128xi32, #tpu.memory_space<vmem>>) target_semaphore(%arg7 : memref<!tpu.dma_semaphore, #tpu.memory_space<semaphore_mem>>)
      %add3A_772 = arith.constant 1 : i32
      %add3A_773 = arith.addi %mul3A_683, %add3A_772 : i32
      %dma_wait3A_774 = arith.constant 0 : i32
      %dma_wait3A_775 = arith.constant 2 : i32
      %dma_wait3A_776 = arith.constant 0 : i32
      %dma_wait3A_777 = arith.constant 0 : i32
      %dma_wait3A_778 = tpu.memref_slice %arg5[%dma_wait3A_775, %dma_wait3A_776, %dma_wait3A_777] : memref<4x1x128xi32, #tpu.memory_space<vmem>> -> memref<1x1x128xi32, #tpu.memory_space<vmem>>
      %dma_wait3A_779 = tpu.memref_squeeze %dma_wait3A_778 : memref<1x1x128xi32, #tpu.memory_space<vmem>> -> memref<128xi32, #tpu.memory_space<vmem>>
      %dma_wait3A_780 = arith.constant 0 : i32
      %dma_wait3A_781 = tpu.memref_slice %arg3[%add3A, %dma_wait3A_774, %dma_wait3A_780] : memref<32x104x128xi32, #tpu.memory_space<hbm>> -> memref<1x1x128xi32, #tpu.memory_space<hbm>>
      %dma_wait3A_782 = tpu.memref_squeeze %dma_wait3A_781 : memref<1x1x128xi32, #tpu.memory_space<hbm>> -> memref<128xi32, #tpu.memory_space<hbm>>
      %dma_wait3A_783 = arith.constant 0 : i32
      %dma_wait3A_784 = tpu.memref_slice %arg5[%dma_wait3A_775, %dma_wait3A_776, %dma_wait3A_783] : memref<4x1x128xi32, #tpu.memory_space<vmem>> -> memref<1x1x128xi32, #tpu.memory_space<vmem>>
      %dma_wait3A_785 = tpu.memref_squeeze %dma_wait3A_784 : memref<1x1x128xi32, #tpu.memory_space<vmem>> -> memref<128xi32, #tpu.memory_space<vmem>>
      %dma_wait3A_786 = arith.constant 0 : i32
      %dma_wait3A_787 = tpu.memref_slice %arg3[%add3A, %dma_wait3A_774, %dma_wait3A_786] : memref<32x104x128xi32, #tpu.memory_space<hbm>> -> memref<1x1x128xi32, #tpu.memory_space<hbm>>
      %dma_wait3A_788 = tpu.memref_squeeze %dma_wait3A_787 : memref<1x1x128xi32, #tpu.memory_space<hbm>> -> memref<128xi32, #tpu.memory_space<hbm>>
      tpu.wait_dma2 semaphore(%arg9 : memref<!tpu.dma_semaphore, #tpu.memory_space<semaphore_mem>>) src(%dma_wait3A_788 : memref<128xi32, #tpu.memory_space<hbm>>) dst(%dma_wait3A_785 : memref<128xi32, #tpu.memory_space<vmem>>)
      %dma_wait3A_789 = arith.constant 0 : i32
      %dma_wait3A_790 = arith.constant 0 : i32
      %dma_wait3A_791 = arith.constant 0 : i32
      %dma_wait3A_792 = tpu.memref_slice %arg6[%dma_wait3A_789, %dma_wait3A_790, %dma_wait3A_791] : memref<2x128x32xf32, #tpu.memory_space<vmem>> -> memref<1x128x32xf32, #tpu.memory_space<vmem>>
      %dma_wait3A_793 = tpu.memref_squeeze %dma_wait3A_792 : memref<1x128x32xf32, #tpu.memory_space<vmem>> -> memref<128x32xf32, #tpu.memory_space<vmem>>
      %dma_wait3A_794 = arith.constant 0 : i32
      %dma_wait3A_795 = tpu.memref_slice %arg4[%mul3A_2, %dma_wait3A_794] : memref<425984x32xf32, #tpu.memory_space<hbm>> -> memref<128x32xf32, #tpu.memory_space<hbm>>
      %dma_wait3A_796 = arith.constant 0 : i32
      %dma_wait3A_797 = tpu.memref_slice %arg4[%mul3A_2, %dma_wait3A_796] : memref<425984x32xf32, #tpu.memory_space<hbm>> -> memref<128x32xf32, #tpu.memory_space<hbm>>
      %dma_wait3A_798 = arith.constant 0 : i32
      %dma_wait3A_799 = arith.constant 0 : i32
      %dma_wait3A_800 = tpu.memref_slice %arg6[%dma_wait3A_789, %dma_wait3A_798, %dma_wait3A_799] : memref<2x128x32xf32, #tpu.memory_space<vmem>> -> memref<1x128x32xf32, #tpu.memory_space<vmem>>
      %dma_wait3A_801 = tpu.memref_squeeze %dma_wait3A_800 : memref<1x128x32xf32, #tpu.memory_space<vmem>> -> memref<128x32xf32, #tpu.memory_space<vmem>>
      tpu.wait_dma2 semaphore(%arg13 : memref<!tpu.dma_semaphore, #tpu.memory_space<semaphore_mem>>) src(%dma_wait3A_801 : memref<128x32xf32, #tpu.memory_space<vmem>>) dst(%dma_wait3A_797 : memref<128x32xf32, #tpu.memory_space<hbm>>)
      %dma_start3A_802 = arith.constant 2 : i32
      %dma_start3A_803 = arith.constant 0 : i32
      %dma_start3A_804 = arith.constant 0 : i32
      %dma_start3A_805 = arith.constant 0 : i32
      %dma_start3A_806 = arith.constant 0 : i32
      %dma_start3A_807 = tpu.memref_slice %arg6[%dma_start3A_804, %dma_start3A_805, %dma_start3A_806] : memref<2x128x32xf32, #tpu.memory_space<vmem>> -> memref<1x128x32xf32, #tpu.memory_space<vmem>>
      %dma_start3A_808 = tpu.memref_squeeze %dma_start3A_807 : memref<1x128x32xf32, #tpu.memory_space<vmem>> -> memref<128x32xf32, #tpu.memory_space<vmem>>
      %dma_start3A_809 = arith.constant 0 : i32
      %dma_start3A_810 = tpu.memref_slice %arg5[%dma_start3A_802, %dma_start3A_803, %dma_start3A_809] : memref<4x1x128xi32, #tpu.memory_space<vmem>> -> memref<1x1x128xi32, #tpu.memory_space<vmem>>
      %dma_start3A_811 = tpu.memref_squeeze %dma_start3A_810 : memref<1x1x128xi32, #tpu.memory_space<vmem>> -> memref<128xi32, #tpu.memory_space<vmem>>
      %dma_start3A_812 = arith.constant 0 : i32
      %dma_start3A_813 = arith.constant 0 : i32
      %dma_start3A_814 = tpu.memref_slice %arg2[%dma_start3A_812, %dma_start3A_813] : memref<2600000x32xf32, #tpu.memory_space<hbm>> -> memref<2600000x32xf32, #tpu.memory_space<hbm>>
      tpu.enqueue_indirect_dma source(%dma_start3A_814 : memref<2600000x32xf32, #tpu.memory_space<hbm>>) target(%dma_start3A_808 : memref<128x32xf32, #tpu.memory_space<vmem>>) offsets(%dma_start3A_811 : memref<128xi32, #tpu.memory_space<vmem>>) semaphore(%arg11 : memref<!tpu.dma_semaphore, #tpu.memory_space<semaphore_mem>>)
      %dma_wait3A_815 = arith.constant 0 : i32
      %dma_wait3A_816 = arith.constant 0 : i32
      %dma_wait3A_817 = arith.constant 1 : i32
      %dma_wait3A_818 = arith.constant 0 : i32
      %dma_wait3A_819 = arith.constant 0 : i32
      %dma_wait3A_820 = tpu.memref_slice %arg6[%dma_wait3A_817, %dma_wait3A_818, %dma_wait3A_819] : memref<2x128x32xf32, #tpu.memory_space<vmem>> -> memref<1x128x32xf32, #tpu.memory_space<vmem>>
      %dma_wait3A_821 = tpu.memref_squeeze %dma_wait3A_820 : memref<1x128x32xf32, #tpu.memory_space<vmem>> -> memref<128x32xf32, #tpu.memory_space<vmem>>
      %dma_wait3A_822 = arith.constant 0 : i32
      %dma_wait3A_823 = tpu.memref_slice %arg5[%dma_wait3A_815, %dma_wait3A_816, %dma_wait3A_822] : memref<4x1x128xi32, #tpu.memory_space<vmem>> -> memref<1x1x128xi32, #tpu.memory_space<vmem>>
      %dma_wait3A_824 = tpu.memref_squeeze %dma_wait3A_823 : memref<1x1x128xi32, #tpu.memory_space<vmem>> -> memref<128xi32, #tpu.memory_space<vmem>>
      %dma_wait3A_825 = arith.constant 0 : i32
      %dma_wait3A_826 = arith.constant 0 : i32
      %dma_wait3A_827 = tpu.memref_slice %arg2[%dma_wait3A_825, %dma_wait3A_826] : memref<2600000x32xf32, #tpu.memory_space<hbm>> -> memref<2600000x32xf32, #tpu.memory_space<hbm>>
      tpu.wait_indirect_dma semaphore(%arg12 : memref<!tpu.dma_semaphore, #tpu.memory_space<semaphore_mem>>) src(%dma_wait3A_827 : memref<2600000x32xf32, #tpu.memory_space<hbm>>) dst(%dma_wait3A_821 : memref<128x32xf32, #tpu.memory_space<vmem>>)
      %mul3A_828 = arith.constant 128 : i32
      %mul3A_829 = arith.muli %add3A_773, %mul3A_828 : i32
      %add3A_830 = arith.addi %mul3A_2, %mul3A_829 : i32
      %dma_start3A_831 = arith.constant 1 : i32
      %dma_start3A_832 = arith.constant 0 : i32
      %dma_start3A_833 = arith.constant 0 : i32
      %dma_start3A_834 = tpu.memref_slice %arg6[%dma_start3A_831, %dma_start3A_832, %dma_start3A_833] : memref<2x128x32xf32, #tpu.memory_space<vmem>> -> memref<1x128x32xf32, #tpu.memory_space<vmem>>
      %dma_start3A_835 = tpu.memref_squeeze %dma_start3A_834 : memref<1x128x32xf32, #tpu.memory_space<vmem>> -> memref<128x32xf32, #tpu.memory_space<vmem>>
      %dma_start3A_836 = arith.constant 0 : i32
      %dma_start3A_837 = tpu.memref_slice %arg4[%add3A_830, %dma_start3A_836] : memref<425984x32xf32, #tpu.memory_space<hbm>> -> memref<128x32xf32, #tpu.memory_space<hbm>>
      %dma_start3A_838 = arith.constant 0 : i32
      %dma_start3A_839 = tpu.memref_slice %arg4[%add3A_830, %dma_start3A_838] : memref<425984x32xf32, #tpu.memory_space<hbm>> -> memref<128x32xf32, #tpu.memory_space<hbm>>
      %dma_start3A_840 = arith.constant 0 : i32
      %dma_start3A_841 = arith.constant 0 : i32
      %dma_start3A_842 = tpu.memref_slice %arg6[%dma_start3A_831, %dma_start3A_840, %dma_start3A_841] : memref<2x128x32xf32, #tpu.memory_space<vmem>> -> memref<1x128x32xf32, #tpu.memory_space<vmem>>
      %dma_start3A_843 = tpu.memref_squeeze %dma_start3A_842 : memref<1x128x32xf32, #tpu.memory_space<vmem>> -> memref<128x32xf32, #tpu.memory_space<vmem>>
      tpu.enqueue_dma source(%dma_start3A_843 : memref<128x32xf32, #tpu.memory_space<vmem>>) target(%dma_start3A_839 : memref<128x32xf32, #tpu.memory_space<hbm>>) target_semaphore(%arg14 : memref<!tpu.dma_semaphore, #tpu.memory_space<semaphore_mem>>)
      %add3A_844 = arith.constant 4 : i32
      %add3A_845 = arith.addi %add3A_773, %add3A_844 : i32
      %dma_start3A_846 = arith.constant 1 : i32
      %dma_start3A_847 = arith.constant 0 : i32
      %dma_start3A_848 = arith.constant 0 : i32
      %dma_start3A_849 = tpu.memref_slice %arg5[%dma_start3A_846, %dma_start3A_847, %dma_start3A_848] : memref<4x1x128xi32, #tpu.memory_space<vmem>> -> memref<1x1x128xi32, #tpu.memory_space<vmem>>
      %dma_start3A_850 = tpu.memref_squeeze %dma_start3A_849 : memref<1x1x128xi32, #tpu.memory_space<vmem>> -> memref<128xi32, #tpu.memory_space<vmem>>
      %dma_start3A_851 = arith.constant 0 : i32
      %dma_start3A_852 = tpu.memref_slice %arg3[%add3A, %add3A_845, %dma_start3A_851] : memref<32x104x128xi32, #tpu.memory_space<hbm>> -> memref<1x1x128xi32, #tpu.memory_space<hbm>>
      %dma_start3A_853 = tpu.memref_squeeze %dma_start3A_852 : memref<1x1x128xi32, #tpu.memory_space<hbm>> -> memref<128xi32, #tpu.memory_space<hbm>>
      %dma_start3A_854 = arith.constant 0 : i32
      %dma_start3A_855 = tpu.memref_slice %arg5[%dma_start3A_846, %dma_start3A_847, %dma_start3A_854] : memref<4x1x128xi32, #tpu.memory_space<vmem>> -> memref<1x1x128xi32, #tpu.memory_space<vmem>>
      %dma_start3A_856 = tpu.memref_squeeze %dma_start3A_855 : memref<1x1x128xi32, #tpu.memory_space<vmem>> -> memref<128xi32, #tpu.memory_space<vmem>>
      %dma_start3A_857 = arith.constant 0 : i32
      %dma_start3A_858 = tpu.memref_slice %arg3[%add3A, %add3A_845, %dma_start3A_857] : memref<32x104x128xi32, #tpu.memory_space<hbm>> -> memref<1x1x128xi32, #tpu.memory_space<hbm>>
      %dma_start3A_859 = tpu.memref_squeeze %dma_start3A_858 : memref<1x1x128xi32, #tpu.memory_space<hbm>> -> memref<128xi32, #tpu.memory_space<hbm>>
      tpu.enqueue_dma source(%dma_start3A_859 : memref<128xi32, #tpu.memory_space<hbm>>) target(%dma_start3A_856 : memref<128xi32, #tpu.memory_space<vmem>>) target_semaphore(%arg8 : memref<!tpu.dma_semaphore, #tpu.memory_space<semaphore_mem>>)
      %add3A_860 = arith.constant 2 : i32
      %add3A_861 = arith.addi %mul3A_683, %add3A_860 : i32
      %dma_wait3A_862 = arith.constant 0 : i32
      %dma_wait3A_863 = arith.constant 3 : i32
      %dma_wait3A_864 = arith.constant 0 : i32
      %dma_wait3A_865 = arith.constant 0 : i32
      %dma_wait3A_866 = tpu.memref_slice %arg5[%dma_wait3A_863, %dma_wait3A_864, %dma_wait3A_865] : memref<4x1x128xi32, #tpu.memory_space<vmem>> -> memref<1x1x128xi32, #tpu.memory_space<vmem>>
      %dma_wait3A_867 = tpu.memref_squeeze %dma_wait3A_866 : memref<1x1x128xi32, #tpu.memory_space<vmem>> -> memref<128xi32, #tpu.memory_space<vmem>>
      %dma_wait3A_868 = arith.constant 0 : i32
      %dma_wait3A_869 = tpu.memref_slice %arg3[%add3A, %dma_wait3A_862, %dma_wait3A_868] : memref<32x104x128xi32, #tpu.memory_space<hbm>> -> memref<1x1x128xi32, #tpu.memory_space<hbm>>
      %dma_wait3A_870 = tpu.memref_squeeze %dma_wait3A_869 : memref<1x1x128xi32, #tpu.memory_space<hbm>> -> memref<128xi32, #tpu.memory_space<hbm>>
      %dma_wait3A_871 = arith.constant 0 : i32
      %dma_wait3A_872 = tpu.memref_slice %arg5[%dma_wait3A_863, %dma_wait3A_864, %dma_wait3A_871] : memref<4x1x128xi32, #tpu.memory_space<vmem>> -> memref<1x1x128xi32, #tpu.memory_space<vmem>>
      %dma_wait3A_873 = tpu.memref_squeeze %dma_wait3A_872 : memref<1x1x128xi32, #tpu.memory_space<vmem>> -> memref<128xi32, #tpu.memory_space<vmem>>
      %dma_wait3A_874 = arith.constant 0 : i32
      %dma_wait3A_875 = tpu.memref_slice %arg3[%add3A, %dma_wait3A_862, %dma_wait3A_874] : memref<32x104x128xi32, #tpu.memory_space<hbm>> -> memref<1x1x128xi32, #tpu.memory_space<hbm>>
      %dma_wait3A_876 = tpu.memref_squeeze %dma_wait3A_875 : memref<1x1x128xi32, #tpu.memory_space<hbm>> -> memref<128xi32, #tpu.memory_space<hbm>>
      tpu.wait_dma2 semaphore(%arg10 : memref<!tpu.dma_semaphore, #tpu.memory_space<semaphore_mem>>) src(%dma_wait3A_876 : memref<128xi32, #tpu.memory_space<hbm>>) dst(%dma_wait3A_873 : memref<128xi32, #tpu.memory_space<vmem>>)
      %dma_wait3A_877 = arith.constant 1 : i32
      %dma_wait3A_878 = arith.constant 0 : i32
      %dma_wait3A_879 = arith.constant 0 : i32
      %dma_wait3A_880 = tpu.memref_slice %arg6[%dma_wait3A_877, %dma_wait3A_878, %dma_wait3A_879] : memref<2x128x32xf32, #tpu.memory_space<vmem>> -> memref<1x128x32xf32, #tpu.memory_space<vmem>>
      %dma_wait3A_881 = tpu.memref_squeeze %dma_wait3A_880 : memref<1x128x32xf32, #tpu.memory_space<vmem>> -> memref<128x32xf32, #tpu.memory_space<vmem>>
      %dma_wait3A_882 = arith.constant 0 : i32
      %dma_wait3A_883 = tpu.memref_slice %arg4[%mul3A_2, %dma_wait3A_882] : memref<425984x32xf32, #tpu.memory_space<hbm>> -> memref<128x32xf32, #tpu.memory_space<hbm>>
      %dma_wait3A_884 = arith.constant 0 : i32
      %dma_wait3A_885 = tpu.memref_slice %arg4[%mul3A_2, %dma_wait3A_884] : memref<425984x32xf32, #tpu.memory_space<hbm>> -> memref<128x32xf32, #tpu.memory_space<hbm>>
      %dma_wait3A_886 = arith.constant 0 : i32
      %dma_wait3A_887 = arith.constant 0 : i32
      %dma_wait3A_888 = tpu.memref_slice %arg6[%dma_wait3A_877, %dma_wait3A_886, %dma_wait3A_887] : memref<2x128x32xf32, #tpu.memory_space<vmem>> -> memref<1x128x32xf32, #tpu.memory_space<vmem>>
      %dma_wait3A_889 = tpu.memref_squeeze %dma_wait3A_888 : memref<1x128x32xf32, #tpu.memory_space<vmem>> -> memref<128x32xf32, #tpu.memory_space<vmem>>
      tpu.wait_dma2 semaphore(%arg14 : memref<!tpu.dma_semaphore, #tpu.memory_space<semaphore_mem>>) src(%dma_wait3A_889 : memref<128x32xf32, #tpu.memory_space<vmem>>) dst(%dma_wait3A_885 : memref<128x32xf32, #tpu.memory_space<hbm>>)
      %dma_start3A_890 = arith.constant 3 : i32
      %dma_start3A_891 = arith.constant 0 : i32
      %dma_start3A_892 = arith.constant 1 : i32
      %dma_start3A_893 = arith.constant 0 : i32
      %dma_start3A_894 = arith.constant 0 : i32
      %dma_start3A_895 = tpu.memref_slice %arg6[%dma_start3A_892, %dma_start3A_893, %dma_start3A_894] : memref<2x128x32xf32, #tpu.memory_space<vmem>> -> memref<1x128x32xf32, #tpu.memory_space<vmem>>
      %dma_start3A_896 = tpu.memref_squeeze %dma_start3A_895 : memref<1x128x32xf32, #tpu.memory_space<vmem>> -> memref<128x32xf32, #tpu.memory_space<vmem>>
      %dma_start3A_897 = arith.constant 0 : i32
      %dma_start3A_898 = tpu.memref_slice %arg5[%dma_start3A_890, %dma_start3A_891, %dma_start3A_897] : memref<4x1x128xi32, #tpu.memory_space<vmem>> -> memref<1x1x128xi32, #tpu.memory_space<vmem>>
      %dma_start3A_899 = tpu.memref_squeeze %dma_start3A_898 : memref<1x1x128xi32, #tpu.memory_space<vmem>> -> memref<128xi32, #tpu.memory_space<vmem>>
      %dma_start3A_900 = arith.constant 0 : i32
      %dma_start3A_901 = arith.constant 0 : i32
      %dma_start3A_902 = tpu.memref_slice %arg2[%dma_start3A_900, %dma_start3A_901] : memref<2600000x32xf32, #tpu.memory_space<hbm>> -> memref<2600000x32xf32, #tpu.memory_space<hbm>>
      tpu.enqueue_indirect_dma source(%dma_start3A_902 : memref<2600000x32xf32, #tpu.memory_space<hbm>>) target(%dma_start3A_896 : memref<128x32xf32, #tpu.memory_space<vmem>>) offsets(%dma_start3A_899 : memref<128xi32, #tpu.memory_space<vmem>>) semaphore(%arg12 : memref<!tpu.dma_semaphore, #tpu.memory_space<semaphore_mem>>)
      %dma_wait3A_903 = arith.constant 0 : i32
      %dma_wait3A_904 = arith.constant 0 : i32
      %dma_wait3A_905 = arith.constant 0 : i32
      %dma_wait3A_906 = arith.constant 0 : i32
      %dma_wait3A_907 = arith.constant 0 : i32
      %dma_wait3A_908 = tpu.memref_slice %arg6[%dma_wait3A_905, %dma_wait3A_906, %dma_wait3A_907] : memref<2x128x32xf32, #tpu.memory_space<vmem>> -> memref<1x128x32xf32, #tpu.memory_space<vmem>>
      %dma_wait3A_909 = tpu.memref_squeeze %dma_wait3A_908 : memref<1x128x32xf32, #tpu.memory_space<vmem>> -> memref<128x32xf32, #tpu.memory_space<vmem>>
      %dma_wait3A_910 = arith.constant 0 : i32
      %dma_wait3A_911 = tpu.memref_slice %arg5[%dma_wait3A_903, %dma_wait3A_904, %dma_wait3A_910] : memref<4x1x128xi32, #tpu.memory_space<vmem>> -> memref<1x1x128xi32, #tpu.memory_space<vmem>>
      %dma_wait3A_912 = tpu.memref_squeeze %dma_wait3A_911 : memref<1x1x128xi32, #tpu.memory_space<vmem>> -> memref<128xi32, #tpu.memory_space<vmem>>
      %dma_wait3A_913 = arith.constant 0 : i32
      %dma_wait3A_914 = arith.constant 0 : i32
      %dma_wait3A_915 = tpu.memref_slice %arg2[%dma_wait3A_913, %dma_wait3A_914] : memref<2600000x32xf32, #tpu.memory_space<hbm>> -> memref<2600000x32xf32, #tpu.memory_space<hbm>>
      tpu.wait_indirect_dma semaphore(%arg11 : memref<!tpu.dma_semaphore, #tpu.memory_space<semaphore_mem>>) src(%dma_wait3A_915 : memref<2600000x32xf32, #tpu.memory_space<hbm>>) dst(%dma_wait3A_909 : memref<128x32xf32, #tpu.memory_space<vmem>>)
      %mul3A_916 = arith.constant 128 : i32
      %mul3A_917 = arith.muli %add3A_861, %mul3A_916 : i32
      %add3A_918 = arith.addi %mul3A_2, %mul3A_917 : i32
      %dma_start3A_919 = arith.constant 0 : i32
      %dma_start3A_920 = arith.constant 0 : i32
      %dma_start3A_921 = arith.constant 0 : i32
      %dma_start3A_922 = tpu.memref_slice %arg6[%dma_start3A_919, %dma_start3A_920, %dma_start3A_921] : memref<2x128x32xf32, #tpu.memory_space<vmem>> -> memref<1x128x32xf32, #tpu.memory_space<vmem>>
      %dma_start3A_923 = tpu.memref_squeeze %dma_start3A_922 : memref<1x128x32xf32, #tpu.memory_space<vmem>> -> memref<128x32xf32, #tpu.memory_space<vmem>>
      %dma_start3A_924 = arith.constant 0 : i32
      %dma_start3A_925 = tpu.memref_slice %arg4[%add3A_918, %dma_start3A_924] : memref<425984x32xf32, #tpu.memory_space<hbm>> -> memref<128x32xf32, #tpu.memory_space<hbm>>
      %dma_start3A_926 = arith.constant 0 : i32
      %dma_start3A_927 = tpu.memref_slice %arg4[%add3A_918, %dma_start3A_926] : memref<425984x32xf32, #tpu.memory_space<hbm>> -> memref<128x32xf32, #tpu.memory_space<hbm>>
      %dma_start3A_928 = arith.constant 0 : i32
      %dma_start3A_929 = arith.constant 0 : i32
      %dma_start3A_930 = tpu.memref_slice %arg6[%dma_start3A_919, %dma_start3A_928, %dma_start3A_929] : memref<2x128x32xf32, #tpu.memory_space<vmem>> -> memref<1x128x32xf32, #tpu.memory_space<vmem>>
      %dma_start3A_931 = tpu.memref_squeeze %dma_start3A_930 : memref<1x128x32xf32, #tpu.memory_space<vmem>> -> memref<128x32xf32, #tpu.memory_space<vmem>>
      tpu.enqueue_dma source(%dma_start3A_931 : memref<128x32xf32, #tpu.memory_space<vmem>>) target(%dma_start3A_927 : memref<128x32xf32, #tpu.memory_space<hbm>>) target_semaphore(%arg13 : memref<!tpu.dma_semaphore, #tpu.memory_space<semaphore_mem>>)
      %add3A_932 = arith.constant 4 : i32
      %add3A_933 = arith.addi %add3A_861, %add3A_932 : i32
      %dma_start3A_934 = arith.constant 2 : i32
      %dma_start3A_935 = arith.constant 0 : i32
      %dma_start3A_936 = arith.constant 0 : i32
      %dma_start3A_937 = tpu.memref_slice %arg5[%dma_start3A_934, %dma_start3A_935, %dma_start3A_936] : memref<4x1x128xi32, #tpu.memory_space<vmem>> -> memref<1x1x128xi32, #tpu.memory_space<vmem>>
      %dma_start3A_938 = tpu.memref_squeeze %dma_start3A_937 : memref<1x1x128xi32, #tpu.memory_space<vmem>> -> memref<128xi32, #tpu.memory_space<vmem>>
      %dma_start3A_939 = arith.constant 0 : i32
      %dma_start3A_940 = tpu.memref_slice %arg3[%add3A, %add3A_933, %dma_start3A_939] : memref<32x104x128xi32, #tpu.memory_space<hbm>> -> memref<1x1x128xi32, #tpu.memory_space<hbm>>
      %dma_start3A_941 = tpu.memref_squeeze %dma_start3A_940 : memref<1x1x128xi32, #tpu.memory_space<hbm>> -> memref<128xi32, #tpu.memory_space<hbm>>
      %dma_start3A_942 = arith.constant 0 : i32
      %dma_start3A_943 = tpu.memref_slice %arg5[%dma_start3A_934, %dma_start3A_935, %dma_start3A_942] : memref<4x1x128xi32, #tpu.memory_space<vmem>> -> memref<1x1x128xi32, #tpu.memory_space<vmem>>
      %dma_start3A_944 = tpu.memref_squeeze %dma_start3A_943 : memref<1x1x128xi32, #tpu.memory_space<vmem>> -> memref<128xi32, #tpu.memory_space<vmem>>
      %dma_start3A_945 = arith.constant 0 : i32
      %dma_start3A_946 = tpu.memref_slice %arg3[%add3A, %add3A_933, %dma_start3A_945] : memref<32x104x128xi32, #tpu.memory_space<hbm>> -> memref<1x1x128xi32, #tpu.memory_space<hbm>>
      %dma_start3A_947 = tpu.memref_squeeze %dma_start3A_946 : memref<1x1x128xi32, #tpu.memory_space<hbm>> -> memref<128xi32, #tpu.memory_space<hbm>>
      tpu.enqueue_dma source(%dma_start3A_947 : memref<128xi32, #tpu.memory_space<hbm>>) target(%dma_start3A_944 : memref<128xi32, #tpu.memory_space<vmem>>) target_semaphore(%arg9 : memref<!tpu.dma_semaphore, #tpu.memory_space<semaphore_mem>>)
      %add3A_948 = arith.constant 3 : i32
      %add3A_949 = arith.addi %mul3A_683, %add3A_948 : i32
      %dma_wait3A_950 = arith.constant 0 : i32
      %dma_wait3A_951 = arith.constant 0 : i32
      %dma_wait3A_952 = arith.constant 0 : i32
      %dma_wait3A_953 = arith.constant 0 : i32
      %dma_wait3A_954 = tpu.memref_slice %arg5[%dma_wait3A_951, %dma_wait3A_952, %dma_wait3A_953] : memref<4x1x128xi32, #tpu.memory_space<vmem>> -> memref<1x1x128xi32, #tpu.memory_space<vmem>>
      %dma_wait3A_955 = tpu.memref_squeeze %dma_wait3A_954 : memref<1x1x128xi32, #tpu.memory_space<vmem>> -> memref<128xi32, #tpu.memory_space<vmem>>
      %dma_wait3A_956 = arith.constant 0 : i32
      %dma_wait3A_957 = tpu.memref_slice %arg3[%add3A, %dma_wait3A_950, %dma_wait3A_956] : memref<32x104x128xi32, #tpu.memory_space<hbm>> -> memref<1x1x128xi32, #tpu.memory_space<hbm>>
      %dma_wait3A_958 = tpu.memref_squeeze %dma_wait3A_957 : memref<1x1x128xi32, #tpu.memory_space<hbm>> -> memref<128xi32, #tpu.memory_space<hbm>>
      %dma_wait3A_959 = arith.constant 0 : i32
      %dma_wait3A_960 = tpu.memref_slice %arg5[%dma_wait3A_951, %dma_wait3A_952, %dma_wait3A_959] : memref<4x1x128xi32, #tpu.memory_space<vmem>> -> memref<1x1x128xi32, #tpu.memory_space<vmem>>
      %dma_wait3A_961 = tpu.memref_squeeze %dma_wait3A_960 : memref<1x1x128xi32, #tpu.memory_space<vmem>> -> memref<128xi32, #tpu.memory_space<vmem>>
      %dma_wait3A_962 = arith.constant 0 : i32
      %dma_wait3A_963 = tpu.memref_slice %arg3[%add3A, %dma_wait3A_950, %dma_wait3A_962] : memref<32x104x128xi32, #tpu.memory_space<hbm>> -> memref<1x1x128xi32, #tpu.memory_space<hbm>>
      %dma_wait3A_964 = tpu.memref_squeeze %dma_wait3A_963 : memref<1x1x128xi32, #tpu.memory_space<hbm>> -> memref<128xi32, #tpu.memory_space<hbm>>
      tpu.wait_dma2 semaphore(%arg7 : memref<!tpu.dma_semaphore, #tpu.memory_space<semaphore_mem>>) src(%dma_wait3A_964 : memref<128xi32, #tpu.memory_space<hbm>>) dst(%dma_wait3A_961 : memref<128xi32, #tpu.memory_space<vmem>>)
      %dma_wait3A_965 = arith.constant 0 : i32
      %dma_wait3A_966 = arith.constant 0 : i32
      %dma_wait3A_967 = arith.constant 0 : i32
      %dma_wait3A_968 = tpu.memref_slice %arg6[%dma_wait3A_965, %dma_wait3A_966, %dma_wait3A_967] : memref<2x128x32xf32, #tpu.memory_space<vmem>> -> memref<1x128x32xf32, #tpu.memory_space<vmem>>
      %dma_wait3A_969 = tpu.memref_squeeze %dma_wait3A_968 : memref<1x128x32xf32, #tpu.memory_space<vmem>> -> memref<128x32xf32, #tpu.memory_space<vmem>>
      %dma_wait3A_970 = arith.constant 0 : i32
      %dma_wait3A_971 = tpu.memref_slice %arg4[%mul3A_2, %dma_wait3A_970] : memref<425984x32xf32, #tpu.memory_space<hbm>> -> memref<128x32xf32, #tpu.memory_space<hbm>>
      %dma_wait3A_972 = arith.constant 0 : i32
      %dma_wait3A_973 = tpu.memref_slice %arg4[%mul3A_2, %dma_wait3A_972] : memref<425984x32xf32, #tpu.memory_space<hbm>> -> memref<128x32xf32, #tpu.memory_space<hbm>>
      %dma_wait3A_974 = arith.constant 0 : i32
      %dma_wait3A_975 = arith.constant 0 : i32
      %dma_wait3A_976 = tpu.memref_slice %arg6[%dma_wait3A_965, %dma_wait3A_974, %dma_wait3A_975] : memref<2x128x32xf32, #tpu.memory_space<vmem>> -> memref<1x128x32xf32, #tpu.memory_space<vmem>>
      %dma_wait3A_977 = tpu.memref_squeeze %dma_wait3A_976 : memref<1x128x32xf32, #tpu.memory_space<vmem>> -> memref<128x32xf32, #tpu.memory_space<vmem>>
      tpu.wait_dma2 semaphore(%arg13 : memref<!tpu.dma_semaphore, #tpu.memory_space<semaphore_mem>>) src(%dma_wait3A_977 : memref<128x32xf32, #tpu.memory_space<vmem>>) dst(%dma_wait3A_973 : memref<128x32xf32, #tpu.memory_space<hbm>>)
      %dma_start3A_978 = arith.constant 0 : i32
      %dma_start3A_979 = arith.constant 0 : i32
      %dma_start3A_980 = arith.constant 0 : i32
      %dma_start3A_981 = arith.constant 0 : i32
      %dma_start3A_982 = arith.constant 0 : i32
      %dma_start3A_983 = tpu.memref_slice %arg6[%dma_start3A_980, %dma_start3A_981, %dma_start3A_982] : memref<2x128x32xf32, #tpu.memory_space<vmem>> -> memref<1x128x32xf32, #tpu.memory_space<vmem>>
      %dma_start3A_984 = tpu.memref_squeeze %dma_start3A_983 : memref<1x128x32xf32, #tpu.memory_space<vmem>> -> memref<128x32xf32, #tpu.memory_space<vmem>>
      %dma_start3A_985 = arith.constant 0 : i32
      %dma_start3A_986 = tpu.memref_slice %arg5[%dma_start3A_978, %dma_start3A_979, %dma_start3A_985] : memref<4x1x128xi32, #tpu.memory_space<vmem>> -> memref<1x1x128xi32, #tpu.memory_space<vmem>>
      %dma_start3A_987 = tpu.memref_squeeze %dma_start3A_986 : memref<1x1x128xi32, #tpu.memory_space<vmem>> -> memref<128xi32, #tpu.memory_space<vmem>>
      %dma_start3A_988 = arith.constant 0 : i32
      %dma_start3A_989 = arith.constant 0 : i32
      %dma_start3A_990 = tpu.memref_slice %arg2[%dma_start3A_988, %dma_start3A_989] : memref<2600000x32xf32, #tpu.memory_space<hbm>> -> memref<2600000x32xf32, #tpu.memory_space<hbm>>
      tpu.enqueue_indirect_dma source(%dma_start3A_990 : memref<2600000x32xf32, #tpu.memory_space<hbm>>) target(%dma_start3A_984 : memref<128x32xf32, #tpu.memory_space<vmem>>) offsets(%dma_start3A_987 : memref<128xi32, #tpu.memory_space<vmem>>) semaphore(%arg11 : memref<!tpu.dma_semaphore, #tpu.memory_space<semaphore_mem>>)
      %dma_wait3A_991 = arith.constant 0 : i32
      %dma_wait3A_992 = arith.constant 0 : i32
      %dma_wait3A_993 = arith.constant 1 : i32
      %dma_wait3A_994 = arith.constant 0 : i32
      %dma_wait3A_995 = arith.constant 0 : i32
      %dma_wait3A_996 = tpu.memref_slice %arg6[%dma_wait3A_993, %dma_wait3A_994, %dma_wait3A_995] : memref<2x128x32xf32, #tpu.memory_space<vmem>> -> memref<1x128x32xf32, #tpu.memory_space<vmem>>
      %dma_wait3A_997 = tpu.memref_squeeze %dma_wait3A_996 : memref<1x128x32xf32, #tpu.memory_space<vmem>> -> memref<128x32xf32, #tpu.memory_space<vmem>>
      %dma_wait3A_998 = arith.constant 0 : i32
      %dma_wait3A_999 = tpu.memref_slice %arg5[%dma_wait3A_991, %dma_wait3A_992, %dma_wait3A_998] : memref<4x1x128xi32, #tpu.memory_space<vmem>> -> memref<1x1x128xi32, #tpu.memory_space<vmem>>
      %dma_wait3A_1000 = tpu.memref_squeeze %dma_wait3A_999 : memref<1x1x128xi32, #tpu.memory_space<vmem>> -> memref<128xi32, #tpu.memory_space<vmem>>
      %dma_wait3A_1001 = arith.constant 0 : i32
      %dma_wait3A_1002 = arith.constant 0 : i32
      %dma_wait3A_1003 = tpu.memref_slice %arg2[%dma_wait3A_1001, %dma_wait3A_1002] : memref<2600000x32xf32, #tpu.memory_space<hbm>> -> memref<2600000x32xf32, #tpu.memory_space<hbm>>
      tpu.wait_indirect_dma semaphore(%arg12 : memref<!tpu.dma_semaphore, #tpu.memory_space<semaphore_mem>>) src(%dma_wait3A_1003 : memref<2600000x32xf32, #tpu.memory_space<hbm>>) dst(%dma_wait3A_997 : memref<128x32xf32, #tpu.memory_space<vmem>>)
      %mul3A_1004 = arith.constant 128 : i32
      %mul3A_1005 = arith.muli %add3A_949, %mul3A_1004 : i32
      %add3A_1006 = arith.addi %mul3A_2, %mul3A_1005 : i32
      %dma_start3A_1007 = arith.constant 1 : i32
      %dma_start3A_1008 = arith.constant 0 : i32
      %dma_start3A_1009 = arith.constant 0 : i32
      %dma_start3A_1010 = tpu.memref_slice %arg6[%dma_start3A_1007, %dma_start3A_1008, %dma_start3A_1009] : memref<2x128x32xf32, #tpu.memory_space<vmem>> -> memref<1x128x32xf32, #tpu.memory_space<vmem>>
      %dma_start3A_1011 = tpu.memref_squeeze %dma_start3A_1010 : memref<1x128x32xf32, #tpu.memory_space<vmem>> -> memref<128x32xf32, #tpu.memory_space<vmem>>
      %dma_start3A_1012 = arith.constant 0 : i32
      %dma_start3A_1013 = tpu.memref_slice %arg4[%add3A_1006, %dma_start3A_1012] : memref<425984x32xf32, #tpu.memory_space<hbm>> -> memref<128x32xf32, #tpu.memory_space<hbm>>
      %dma_start3A_1014 = arith.constant 0 : i32
      %dma_start3A_1015 = tpu.memref_slice %arg4[%add3A_1006, %dma_start3A_1014] : memref<425984x32xf32, #tpu.memory_space<hbm>> -> memref<128x32xf32, #tpu.memory_space<hbm>>
      %dma_start3A_1016 = arith.constant 0 : i32
      %dma_start3A_1017 = arith.constant 0 : i32
      %dma_start3A_1018 = tpu.memref_slice %arg6[%dma_start3A_1007, %dma_start3A_1016, %dma_start3A_1017] : memref<2x128x32xf32, #tpu.memory_space<vmem>> -> memref<1x128x32xf32, #tpu.memory_space<vmem>>
      %dma_start3A_1019 = tpu.memref_squeeze %dma_start3A_1018 : memref<1x128x32xf32, #tpu.memory_space<vmem>> -> memref<128x32xf32, #tpu.memory_space<vmem>>
      tpu.enqueue_dma source(%dma_start3A_1019 : memref<128x32xf32, #tpu.memory_space<vmem>>) target(%dma_start3A_1015 : memref<128x32xf32, #tpu.memory_space<hbm>>) target_semaphore(%arg14 : memref<!tpu.dma_semaphore, #tpu.memory_space<semaphore_mem>>)
      %add3A_1020 = arith.constant 4 : i32
      %add3A_1021 = arith.addi %add3A_949, %add3A_1020 : i32
      %dma_start3A_1022 = arith.constant 3 : i32
      %dma_start3A_1023 = arith.constant 0 : i32
      %dma_start3A_1024 = arith.constant 0 : i32
      %dma_start3A_1025 = tpu.memref_slice %arg5[%dma_start3A_1022, %dma_start3A_1023, %dma_start3A_1024] : memref<4x1x128xi32, #tpu.memory_space<vmem>> -> memref<1x1x128xi32, #tpu.memory_space<vmem>>
      %dma_start3A_1026 = tpu.memref_squeeze %dma_start3A_1025 : memref<1x1x128xi32, #tpu.memory_space<vmem>> -> memref<128xi32, #tpu.memory_space<vmem>>
      %dma_start3A_1027 = arith.constant 0 : i32
      %dma_start3A_1028 = tpu.memref_slice %arg3[%add3A, %add3A_1021, %dma_start3A_1027] : memref<32x104x128xi32, #tpu.memory_space<hbm>> -> memref<1x1x128xi32, #tpu.memory_space<hbm>>
      %dma_start3A_1029 = tpu.memref_squeeze %dma_start3A_1028 : memref<1x1x128xi32, #tpu.memory_space<hbm>> -> memref<128xi32, #tpu.memory_space<hbm>>
      %dma_start3A_1030 = arith.constant 0 : i32
      %dma_start3A_1031 = tpu.memref_slice %arg5[%dma_start3A_1022, %dma_start3A_1023, %dma_start3A_1030] : memref<4x1x128xi32, #tpu.memory_space<vmem>> -> memref<1x1x128xi32, #tpu.memory_space<vmem>>
      %dma_start3A_1032 = tpu.memref_squeeze %dma_start3A_1031 : memref<1x1x128xi32, #tpu.memory_space<vmem>> -> memref<128xi32, #tpu.memory_space<vmem>>
      %dma_start3A_1033 = arith.constant 0 : i32
      %dma_start3A_1034 = tpu.memref_slice %arg3[%add3A, %add3A_1021, %dma_start3A_1033] : memref<32x104x128xi32, #tpu.memory_space<hbm>> -> memref<1x1x128xi32, #tpu.memory_space<hbm>>
      %dma_start3A_1035 = tpu.memref_squeeze %dma_start3A_1034 : memref<1x1x128xi32, #tpu.memory_space<hbm>> -> memref<128xi32, #tpu.memory_space<hbm>>
      tpu.enqueue_dma source(%dma_start3A_1035 : memref<128xi32, #tpu.memory_space<hbm>>) target(%dma_start3A_1032 : memref<128xi32, #tpu.memory_space<vmem>>) target_semaphore(%arg10 : memref<!tpu.dma_semaphore, #tpu.memory_space<semaphore_mem>>)
    }
    %scan3A_415 = arith.constant 24 : i32
    %dma_wait3A_416 = arith.constant 0 : i32
    %dma_wait3A_417 = arith.constant 1 : i32
    %dma_wait3A_418 = arith.constant 0 : i32
    %dma_wait3A_419 = arith.constant 0 : i32
    %dma_wait3A_420 = tpu.memref_slice %arg5[%dma_wait3A_417, %dma_wait3A_418, %dma_wait3A_419] : memref<4x1x128xi32, #tpu.memory_space<vmem>> -> memref<1x1x128xi32, #tpu.memory_space<vmem>>
    %dma_wait3A_421 = tpu.memref_squeeze %dma_wait3A_420 : memref<1x1x128xi32, #tpu.memory_space<vmem>> -> memref<128xi32, #tpu.memory_space<vmem>>
    %dma_wait3A_422 = arith.constant 0 : i32
    %dma_wait3A_423 = tpu.memref_slice %arg3[%add3A, %dma_wait3A_416, %dma_wait3A_422] : memref<32x104x128xi32, #tpu.memory_space<hbm>> -> memref<1x1x128xi32, #tpu.memory_space<hbm>>
    %dma_wait3A_424 = tpu.memref_squeeze %dma_wait3A_423 : memref<1x1x128xi32, #tpu.memory_space<hbm>> -> memref<128xi32, #tpu.memory_space<hbm>>
    %dma_wait3A_425 = arith.constant 0 : i32
    %dma_wait3A_426 = tpu.memref_slice %arg5[%dma_wait3A_417, %dma_wait3A_418, %dma_wait3A_425] : memref<4x1x128xi32, #tpu.memory_space<vmem>> -> memref<1x1x128xi32, #tpu.memory_space<vmem>>
    %dma_wait3A_427 = tpu.memref_squeeze %dma_wait3A_426 : memref<1x1x128xi32, #tpu.memory_space<vmem>> -> memref<128xi32, #tpu.memory_space<vmem>>
    %dma_wait3A_428 = arith.constant 0 : i32
    %dma_wait3A_429 = tpu.memref_slice %arg3[%add3A, %dma_wait3A_416, %dma_wait3A_428] : memref<32x104x128xi32, #tpu.memory_space<hbm>> -> memref<1x1x128xi32, #tpu.memory_space<hbm>>
    %dma_wait3A_430 = tpu.memref_squeeze %dma_wait3A_429 : memref<1x1x128xi32, #tpu.memory_space<hbm>> -> memref<128xi32, #tpu.memory_space<hbm>>
    tpu.wait_dma2 semaphore(%arg8 : memref<!tpu.dma_semaphore, #tpu.memory_space<semaphore_mem>>) src(%dma_wait3A_430 : memref<128xi32, #tpu.memory_space<hbm>>) dst(%dma_wait3A_427 : memref<128xi32, #tpu.memory_space<vmem>>)
    %dma_wait3A_431 = arith.constant 1 : i32
    %dma_wait3A_432 = arith.constant 0 : i32
    %dma_wait3A_433 = arith.constant 0 : i32
    %dma_wait3A_434 = tpu.memref_slice %arg6[%dma_wait3A_431, %dma_wait3A_432, %dma_wait3A_433] : memref<2x128x32xf32, #tpu.memory_space<vmem>> -> memref<1x128x32xf32, #tpu.memory_space<vmem>>
    %dma_wait3A_435 = tpu.memref_squeeze %dma_wait3A_434 : memref<1x128x32xf32, #tpu.memory_space<vmem>> -> memref<128x32xf32, #tpu.memory_space<vmem>>
    %dma_wait3A_436 = arith.constant 0 : i32
    %dma_wait3A_437 = tpu.memref_slice %arg4[%mul3A_2, %dma_wait3A_436] : memref<425984x32xf32, #tpu.memory_space<hbm>> -> memref<128x32xf32, #tpu.memory_space<hbm>>
    %dma_wait3A_438 = arith.constant 0 : i32
    %dma_wait3A_439 = tpu.memref_slice %arg4[%mul3A_2, %dma_wait3A_438] : memref<425984x32xf32, #tpu.memory_space<hbm>> -> memref<128x32xf32, #tpu.memory_space<hbm>>
    %dma_wait3A_440 = arith.constant 0 : i32
    %dma_wait3A_441 = arith.constant 0 : i32
    %dma_wait3A_442 = tpu.memref_slice %arg6[%dma_wait3A_431, %dma_wait3A_440, %dma_wait3A_441] : memref<2x128x32xf32, #tpu.memory_space<vmem>> -> memref<1x128x32xf32, #tpu.memory_space<vmem>>
    %dma_wait3A_443 = tpu.memref_squeeze %dma_wait3A_442 : memref<1x128x32xf32, #tpu.memory_space<vmem>> -> memref<128x32xf32, #tpu.memory_space<vmem>>
    tpu.wait_dma2 semaphore(%arg14 : memref<!tpu.dma_semaphore, #tpu.memory_space<semaphore_mem>>) src(%dma_wait3A_443 : memref<128x32xf32, #tpu.memory_space<vmem>>) dst(%dma_wait3A_439 : memref<128x32xf32, #tpu.memory_space<hbm>>)
    %dma_start3A_444 = arith.constant 1 : i32
    %dma_start3A_445 = arith.constant 0 : i32
    %dma_start3A_446 = arith.constant 1 : i32
    %dma_start3A_447 = arith.constant 0 : i32
    %dma_start3A_448 = arith.constant 0 : i32
    %dma_start3A_449 = tpu.memref_slice %arg6[%dma_start3A_446, %dma_start3A_447, %dma_start3A_448] : memref<2x128x32xf32, #tpu.memory_space<vmem>> -> memref<1x128x32xf32, #tpu.memory_space<vmem>>
    %dma_start3A_450 = tpu.memref_squeeze %dma_start3A_449 : memref<1x128x32xf32, #tpu.memory_space<vmem>> -> memref<128x32xf32, #tpu.memory_space<vmem>>
    %dma_start3A_451 = arith.constant 0 : i32
    %dma_start3A_452 = tpu.memref_slice %arg5[%dma_start3A_444, %dma_start3A_445, %dma_start3A_451] : memref<4x1x128xi32, #tpu.memory_space<vmem>> -> memref<1x1x128xi32, #tpu.memory_space<vmem>>
    %dma_start3A_453 = tpu.memref_squeeze %dma_start3A_452 : memref<1x1x128xi32, #tpu.memory_space<vmem>> -> memref<128xi32, #tpu.memory_space<vmem>>
    %dma_start3A_454 = arith.constant 0 : i32
    %dma_start3A_455 = arith.constant 0 : i32
    %dma_start3A_456 = tpu.memref_slice %arg2[%dma_start3A_454, %dma_start3A_455] : memref<2600000x32xf32, #tpu.memory_space<hbm>> -> memref<2600000x32xf32, #tpu.memory_space<hbm>>
    tpu.enqueue_indirect_dma source(%dma_start3A_456 : memref<2600000x32xf32, #tpu.memory_space<hbm>>) target(%dma_start3A_450 : memref<128x32xf32, #tpu.memory_space<vmem>>) offsets(%dma_start3A_453 : memref<128xi32, #tpu.memory_space<vmem>>) semaphore(%arg12 : memref<!tpu.dma_semaphore, #tpu.memory_space<semaphore_mem>>)
    %dma_wait3A_457 = arith.constant 0 : i32
    %dma_wait3A_458 = arith.constant 0 : i32
    %dma_wait3A_459 = arith.constant 0 : i32
    %dma_wait3A_460 = arith.constant 0 : i32
    %dma_wait3A_461 = arith.constant 0 : i32
    %dma_wait3A_462 = tpu.memref_slice %arg6[%dma_wait3A_459, %dma_wait3A_460, %dma_wait3A_461] : memref<2x128x32xf32, #tpu.memory_space<vmem>> -> memref<1x128x32xf32, #tpu.memory_space<vmem>>
    %dma_wait3A_463 = tpu.memref_squeeze %dma_wait3A_462 : memref<1x128x32xf32, #tpu.memory_space<vmem>> -> memref<128x32xf32, #tpu.memory_space<vmem>>
    %dma_wait3A_464 = arith.constant 0 : i32
    %dma_wait3A_465 = tpu.memref_slice %arg5[%dma_wait3A_457, %dma_wait3A_458, %dma_wait3A_464] : memref<4x1x128xi32, #tpu.memory_space<vmem>> -> memref<1x1x128xi32, #tpu.memory_space<vmem>>
    %dma_wait3A_466 = tpu.memref_squeeze %dma_wait3A_465 : memref<1x1x128xi32, #tpu.memory_space<vmem>> -> memref<128xi32, #tpu.memory_space<vmem>>
    %dma_wait3A_467 = arith.constant 0 : i32
    %dma_wait3A_468 = arith.constant 0 : i32
    %dma_wait3A_469 = tpu.memref_slice %arg2[%dma_wait3A_467, %dma_wait3A_468] : memref<2600000x32xf32, #tpu.memory_space<hbm>> -> memref<2600000x32xf32, #tpu.memory_space<hbm>>
    tpu.wait_indirect_dma semaphore(%arg11 : memref<!tpu.dma_semaphore, #tpu.memory_space<semaphore_mem>>) src(%dma_wait3A_469 : memref<2600000x32xf32, #tpu.memory_space<hbm>>) dst(%dma_wait3A_463 : memref<128x32xf32, #tpu.memory_space<vmem>>)
    %add3A_470 = arith.constant 12800 : i32
    %add3A_471 = arith.addi %mul3A_2, %add3A_470 : i32
    %dma_start3A_472 = arith.constant 0 : i32
    %dma_start3A_473 = arith.constant 0 : i32
    %dma_start3A_474 = arith.constant 0 : i32
    %dma_start3A_475 = tpu.memref_slice %arg6[%dma_start3A_472, %dma_start3A_473, %dma_start3A_474] : memref<2x128x32xf32, #tpu.memory_space<vmem>> -> memref<1x128x32xf32, #tpu.memory_space<vmem>>
    %dma_start3A_476 = tpu.memref_squeeze %dma_start3A_475 : memref<1x128x32xf32, #tpu.memory_space<vmem>> -> memref<128x32xf32, #tpu.memory_space<vmem>>
    %dma_start3A_477 = arith.constant 0 : i32
    %dma_start3A_478 = tpu.memref_slice %arg4[%add3A_471, %dma_start3A_477] : memref<425984x32xf32, #tpu.memory_space<hbm>> -> memref<128x32xf32, #tpu.memory_space<hbm>>
    %dma_start3A_479 = arith.constant 0 : i32
    %dma_start3A_480 = tpu.memref_slice %arg4[%add3A_471, %dma_start3A_479] : memref<425984x32xf32, #tpu.memory_space<hbm>> -> memref<128x32xf32, #tpu.memory_space<hbm>>
    %dma_start3A_481 = arith.constant 0 : i32
    %dma_start3A_482 = arith.constant 0 : i32
    %dma_start3A_483 = tpu.memref_slice %arg6[%dma_start3A_472, %dma_start3A_481, %dma_start3A_482] : memref<2x128x32xf32, #tpu.memory_space<vmem>> -> memref<1x128x32xf32, #tpu.memory_space<vmem>>
    %dma_start3A_484 = tpu.memref_squeeze %dma_start3A_483 : memref<1x128x32xf32, #tpu.memory_space<vmem>> -> memref<128x32xf32, #tpu.memory_space<vmem>>
    tpu.enqueue_dma source(%dma_start3A_484 : memref<128x32xf32, #tpu.memory_space<vmem>>) target(%dma_start3A_480 : memref<128x32xf32, #tpu.memory_space<hbm>>) target_semaphore(%arg13 : memref<!tpu.dma_semaphore, #tpu.memory_space<semaphore_mem>>)
    %dma_wait3A_485 = arith.constant 0 : i32
    %dma_wait3A_486 = arith.constant 2 : i32
    %dma_wait3A_487 = arith.constant 0 : i32
    %dma_wait3A_488 = arith.constant 0 : i32
    %dma_wait3A_489 = tpu.memref_slice %arg5[%dma_wait3A_486, %dma_wait3A_487, %dma_wait3A_488] : memref<4x1x128xi32, #tpu.memory_space<vmem>> -> memref<1x1x128xi32, #tpu.memory_space<vmem>>
    %dma_wait3A_490 = tpu.memref_squeeze %dma_wait3A_489 : memref<1x1x128xi32, #tpu.memory_space<vmem>> -> memref<128xi32, #tpu.memory_space<vmem>>
    %dma_wait3A_491 = arith.constant 0 : i32
    %dma_wait3A_492 = tpu.memref_slice %arg3[%add3A, %dma_wait3A_485, %dma_wait3A_491] : memref<32x104x128xi32, #tpu.memory_space<hbm>> -> memref<1x1x128xi32, #tpu.memory_space<hbm>>
    %dma_wait3A_493 = tpu.memref_squeeze %dma_wait3A_492 : memref<1x1x128xi32, #tpu.memory_space<hbm>> -> memref<128xi32, #tpu.memory_space<hbm>>
    %dma_wait3A_494 = arith.constant 0 : i32
    %dma_wait3A_495 = tpu.memref_slice %arg5[%dma_wait3A_486, %dma_wait3A_487, %dma_wait3A_494] : memref<4x1x128xi32, #tpu.memory_space<vmem>> -> memref<1x1x128xi32, #tpu.memory_space<vmem>>
    %dma_wait3A_496 = tpu.memref_squeeze %dma_wait3A_495 : memref<1x1x128xi32, #tpu.memory_space<vmem>> -> memref<128xi32, #tpu.memory_space<vmem>>
    %dma_wait3A_497 = arith.constant 0 : i32
    %dma_wait3A_498 = tpu.memref_slice %arg3[%add3A, %dma_wait3A_485, %dma_wait3A_497] : memref<32x104x128xi32, #tpu.memory_space<hbm>> -> memref<1x1x128xi32, #tpu.memory_space<hbm>>
    %dma_wait3A_499 = tpu.memref_squeeze %dma_wait3A_498 : memref<1x1x128xi32, #tpu.memory_space<hbm>> -> memref<128xi32, #tpu.memory_space<hbm>>
    tpu.wait_dma2 semaphore(%arg9 : memref<!tpu.dma_semaphore, #tpu.memory_space<semaphore_mem>>) src(%dma_wait3A_499 : memref<128xi32, #tpu.memory_space<hbm>>) dst(%dma_wait3A_496 : memref<128xi32, #tpu.memory_space<vmem>>)
    %dma_wait3A_500 = arith.constant 0 : i32
    %dma_wait3A_501 = arith.constant 0 : i32
    %dma_wait3A_502 = arith.constant 0 : i32
    %dma_wait3A_503 = tpu.memref_slice %arg6[%dma_wait3A_500, %dma_wait3A_501, %dma_wait3A_502] : memref<2x128x32xf32, #tpu.memory_space<vmem>> -> memref<1x128x32xf32, #tpu.memory_space<vmem>>
    %dma_wait3A_504 = tpu.memref_squeeze %dma_wait3A_503 : memref<1x128x32xf32, #tpu.memory_space<vmem>> -> memref<128x32xf32, #tpu.memory_space<vmem>>
    %dma_wait3A_505 = arith.constant 0 : i32
    %dma_wait3A_506 = tpu.memref_slice %arg4[%mul3A_2, %dma_wait3A_505] : memref<425984x32xf32, #tpu.memory_space<hbm>> -> memref<128x32xf32, #tpu.memory_space<hbm>>
    %dma_wait3A_507 = arith.constant 0 : i32
    %dma_wait3A_508 = tpu.memref_slice %arg4[%mul3A_2, %dma_wait3A_507] : memref<425984x32xf32, #tpu.memory_space<hbm>> -> memref<128x32xf32, #tpu.memory_space<hbm>>
    %dma_wait3A_509 = arith.constant 0 : i32
    %dma_wait3A_510 = arith.constant 0 : i32
    %dma_wait3A_511 = tpu.memref_slice %arg6[%dma_wait3A_500, %dma_wait3A_509, %dma_wait3A_510] : memref<2x128x32xf32, #tpu.memory_space<vmem>> -> memref<1x128x32xf32, #tpu.memory_space<vmem>>
    %dma_wait3A_512 = tpu.memref_squeeze %dma_wait3A_511 : memref<1x128x32xf32, #tpu.memory_space<vmem>> -> memref<128x32xf32, #tpu.memory_space<vmem>>
    tpu.wait_dma2 semaphore(%arg13 : memref<!tpu.dma_semaphore, #tpu.memory_space<semaphore_mem>>) src(%dma_wait3A_512 : memref<128x32xf32, #tpu.memory_space<vmem>>) dst(%dma_wait3A_508 : memref<128x32xf32, #tpu.memory_space<hbm>>)
    %dma_start3A_513 = arith.constant 2 : i32
    %dma_start3A_514 = arith.constant 0 : i32
    %dma_start3A_515 = arith.constant 0 : i32
    %dma_start3A_516 = arith.constant 0 : i32
    %dma_start3A_517 = arith.constant 0 : i32
    %dma_start3A_518 = tpu.memref_slice %arg6[%dma_start3A_515, %dma_start3A_516, %dma_start3A_517] : memref<2x128x32xf32, #tpu.memory_space<vmem>> -> memref<1x128x32xf32, #tpu.memory_space<vmem>>
    %dma_start3A_519 = tpu.memref_squeeze %dma_start3A_518 : memref<1x128x32xf32, #tpu.memory_space<vmem>> -> memref<128x32xf32, #tpu.memory_space<vmem>>
    %dma_start3A_520 = arith.constant 0 : i32
    %dma_start3A_521 = tpu.memref_slice %arg5[%dma_start3A_513, %dma_start3A_514, %dma_start3A_520] : memref<4x1x128xi32, #tpu.memory_space<vmem>> -> memref<1x1x128xi32, #tpu.memory_space<vmem>>
    %dma_start3A_522 = tpu.memref_squeeze %dma_start3A_521 : memref<1x1x128xi32, #tpu.memory_space<vmem>> -> memref<128xi32, #tpu.memory_space<vmem>>
    %dma_start3A_523 = arith.constant 0 : i32
    %dma_start3A_524 = arith.constant 0 : i32
    %dma_start3A_525 = tpu.memref_slice %arg2[%dma_start3A_523, %dma_start3A_524] : memref<2600000x32xf32, #tpu.memory_space<hbm>> -> memref<2600000x32xf32, #tpu.memory_space<hbm>>
    tpu.enqueue_indirect_dma source(%dma_start3A_525 : memref<2600000x32xf32, #tpu.memory_space<hbm>>) target(%dma_start3A_519 : memref<128x32xf32, #tpu.memory_space<vmem>>) offsets(%dma_start3A_522 : memref<128xi32, #tpu.memory_space<vmem>>) semaphore(%arg11 : memref<!tpu.dma_semaphore, #tpu.memory_space<semaphore_mem>>)
    %dma_wait3A_526 = arith.constant 0 : i32
    %dma_wait3A_527 = arith.constant 0 : i32
    %dma_wait3A_528 = arith.constant 1 : i32
    %dma_wait3A_529 = arith.constant 0 : i32
    %dma_wait3A_530 = arith.constant 0 : i32
    %dma_wait3A_531 = tpu.memref_slice %arg6[%dma_wait3A_528, %dma_wait3A_529, %dma_wait3A_530] : memref<2x128x32xf32, #tpu.memory_space<vmem>> -> memref<1x128x32xf32, #tpu.memory_space<vmem>>
    %dma_wait3A_532 = tpu.memref_squeeze %dma_wait3A_531 : memref<1x128x32xf32, #tpu.memory_space<vmem>> -> memref<128x32xf32, #tpu.memory_space<vmem>>
    %dma_wait3A_533 = arith.constant 0 : i32
    %dma_wait3A_534 = tpu.memref_slice %arg5[%dma_wait3A_526, %dma_wait3A_527, %dma_wait3A_533] : memref<4x1x128xi32, #tpu.memory_space<vmem>> -> memref<1x1x128xi32, #tpu.memory_space<vmem>>
    %dma_wait3A_535 = tpu.memref_squeeze %dma_wait3A_534 : memref<1x1x128xi32, #tpu.memory_space<vmem>> -> memref<128xi32, #tpu.memory_space<vmem>>
    %dma_wait3A_536 = arith.constant 0 : i32
    %dma_wait3A_537 = arith.constant 0 : i32
    %dma_wait3A_538 = tpu.memref_slice %arg2[%dma_wait3A_536, %dma_wait3A_537] : memref<2600000x32xf32, #tpu.memory_space<hbm>> -> memref<2600000x32xf32, #tpu.memory_space<hbm>>
    tpu.wait_indirect_dma semaphore(%arg12 : memref<!tpu.dma_semaphore, #tpu.memory_space<semaphore_mem>>) src(%dma_wait3A_538 : memref<2600000x32xf32, #tpu.memory_space<hbm>>) dst(%dma_wait3A_532 : memref<128x32xf32, #tpu.memory_space<vmem>>)
    %add3A_539 = arith.constant 12928 : i32
    %add3A_540 = arith.addi %mul3A_2, %add3A_539 : i32
    %dma_start3A_541 = arith.constant 1 : i32
    %dma_start3A_542 = arith.constant 0 : i32
    %dma_start3A_543 = arith.constant 0 : i32
    %dma_start3A_544 = tpu.memref_slice %arg6[%dma_start3A_541, %dma_start3A_542, %dma_start3A_543] : memref<2x128x32xf32, #tpu.memory_space<vmem>> -> memref<1x128x32xf32, #tpu.memory_space<vmem>>
    %dma_start3A_545 = tpu.memref_squeeze %dma_start3A_544 : memref<1x128x32xf32, #tpu.memory_space<vmem>> -> memref<128x32xf32, #tpu.memory_space<vmem>>
    %dma_start3A_546 = arith.constant 0 : i32
    %dma_start3A_547 = tpu.memref_slice %arg4[%add3A_540, %dma_start3A_546] : memref<425984x32xf32, #tpu.memory_space<hbm>> -> memref<128x32xf32, #tpu.memory_space<hbm>>
    %dma_start3A_548 = arith.constant 0 : i32
    %dma_start3A_549 = tpu.memref_slice %arg4[%add3A_540, %dma_start3A_548] : memref<425984x32xf32, #tpu.memory_space<hbm>> -> memref<128x32xf32, #tpu.memory_space<hbm>>
    %dma_start3A_550 = arith.constant 0 : i32
    %dma_start3A_551 = arith.constant 0 : i32
    %dma_start3A_552 = tpu.memref_slice %arg6[%dma_start3A_541, %dma_start3A_550, %dma_start3A_551] : memref<2x128x32xf32, #tpu.memory_space<vmem>> -> memref<1x128x32xf32, #tpu.memory_space<vmem>>
    %dma_start3A_553 = tpu.memref_squeeze %dma_start3A_552 : memref<1x128x32xf32, #tpu.memory_space<vmem>> -> memref<128x32xf32, #tpu.memory_space<vmem>>
    tpu.enqueue_dma source(%dma_start3A_553 : memref<128x32xf32, #tpu.memory_space<vmem>>) target(%dma_start3A_549 : memref<128x32xf32, #tpu.memory_space<hbm>>) target_semaphore(%arg14 : memref<!tpu.dma_semaphore, #tpu.memory_space<semaphore_mem>>)
    %dma_wait3A_554 = arith.constant 0 : i32
    %dma_wait3A_555 = arith.constant 3 : i32
    %dma_wait3A_556 = arith.constant 0 : i32
    %dma_wait3A_557 = arith.constant 0 : i32
    %dma_wait3A_558 = tpu.memref_slice %arg5[%dma_wait3A_555, %dma_wait3A_556, %dma_wait3A_557] : memref<4x1x128xi32, #tpu.memory_space<vmem>> -> memref<1x1x128xi32, #tpu.memory_space<vmem>>
    %dma_wait3A_559 = tpu.memref_squeeze %dma_wait3A_558 : memref<1x1x128xi32, #tpu.memory_space<vmem>> -> memref<128xi32, #tpu.memory_space<vmem>>
    %dma_wait3A_560 = arith.constant 0 : i32
    %dma_wait3A_561 = tpu.memref_slice %arg3[%add3A, %dma_wait3A_554, %dma_wait3A_560] : memref<32x104x128xi32, #tpu.memory_space<hbm>> -> memref<1x1x128xi32, #tpu.memory_space<hbm>>
    %dma_wait3A_562 = tpu.memref_squeeze %dma_wait3A_561 : memref<1x1x128xi32, #tpu.memory_space<hbm>> -> memref<128xi32, #tpu.memory_space<hbm>>
    %dma_wait3A_563 = arith.constant 0 : i32
    %dma_wait3A_564 = tpu.memref_slice %arg5[%dma_wait3A_555, %dma_wait3A_556, %dma_wait3A_563] : memref<4x1x128xi32, #tpu.memory_space<vmem>> -> memref<1x1x128xi32, #tpu.memory_space<vmem>>
    %dma_wait3A_565 = tpu.memref_squeeze %dma_wait3A_564 : memref<1x1x128xi32, #tpu.memory_space<vmem>> -> memref<128xi32, #tpu.memory_space<vmem>>
    %dma_wait3A_566 = arith.constant 0 : i32
    %dma_wait3A_567 = tpu.memref_slice %arg3[%add3A, %dma_wait3A_554, %dma_wait3A_566] : memref<32x104x128xi32, #tpu.memory_space<hbm>> -> memref<1x1x128xi32, #tpu.memory_space<hbm>>
    %dma_wait3A_568 = tpu.memref_squeeze %dma_wait3A_567 : memref<1x1x128xi32, #tpu.memory_space<hbm>> -> memref<128xi32, #tpu.memory_space<hbm>>
    tpu.wait_dma2 semaphore(%arg10 : memref<!tpu.dma_semaphore, #tpu.memory_space<semaphore_mem>>) src(%dma_wait3A_568 : memref<128xi32, #tpu.memory_space<hbm>>) dst(%dma_wait3A_565 : memref<128xi32, #tpu.memory_space<vmem>>)
    %dma_wait3A_569 = arith.constant 1 : i32
    %dma_wait3A_570 = arith.constant 0 : i32
    %dma_wait3A_571 = arith.constant 0 : i32
    %dma_wait3A_572 = tpu.memref_slice %arg6[%dma_wait3A_569, %dma_wait3A_570, %dma_wait3A_571] : memref<2x128x32xf32, #tpu.memory_space<vmem>> -> memref<1x128x32xf32, #tpu.memory_space<vmem>>
    %dma_wait3A_573 = tpu.memref_squeeze %dma_wait3A_572 : memref<1x128x32xf32, #tpu.memory_space<vmem>> -> memref<128x32xf32, #tpu.memory_space<vmem>>
    %dma_wait3A_574 = arith.constant 0 : i32
    %dma_wait3A_575 = tpu.memref_slice %arg4[%mul3A_2, %dma_wait3A_574] : memref<425984x32xf32, #tpu.memory_space<hbm>> -> memref<128x32xf32, #tpu.memory_space<hbm>>
    %dma_wait3A_576 = arith.constant 0 : i32
    %dma_wait3A_577 = tpu.memref_slice %arg4[%mul3A_2, %dma_wait3A_576] : memref<425984x32xf32, #tpu.memory_space<hbm>> -> memref<128x32xf32, #tpu.memory_space<hbm>>
    %dma_wait3A_578 = arith.constant 0 : i32
    %dma_wait3A_579 = arith.constant 0 : i32
    %dma_wait3A_580 = tpu.memref_slice %arg6[%dma_wait3A_569, %dma_wait3A_578, %dma_wait3A_579] : memref<2x128x32xf32, #tpu.memory_space<vmem>> -> memref<1x128x32xf32, #tpu.memory_space<vmem>>
    %dma_wait3A_581 = tpu.memref_squeeze %dma_wait3A_580 : memref<1x128x32xf32, #tpu.memory_space<vmem>> -> memref<128x32xf32, #tpu.memory_space<vmem>>
    tpu.wait_dma2 semaphore(%arg14 : memref<!tpu.dma_semaphore, #tpu.memory_space<semaphore_mem>>) src(%dma_wait3A_581 : memref<128x32xf32, #tpu.memory_space<vmem>>) dst(%dma_wait3A_577 : memref<128x32xf32, #tpu.memory_space<hbm>>)
    %dma_start3A_582 = arith.constant 3 : i32
    %dma_start3A_583 = arith.constant 0 : i32
    %dma_start3A_584 = arith.constant 1 : i32
    %dma_start3A_585 = arith.constant 0 : i32
    %dma_start3A_586 = arith.constant 0 : i32
    %dma_start3A_587 = tpu.memref_slice %arg6[%dma_start3A_584, %dma_start3A_585, %dma_start3A_586] : memref<2x128x32xf32, #tpu.memory_space<vmem>> -> memref<1x128x32xf32, #tpu.memory_space<vmem>>
    %dma_start3A_588 = tpu.memref_squeeze %dma_start3A_587 : memref<1x128x32xf32, #tpu.memory_space<vmem>> -> memref<128x32xf32, #tpu.memory_space<vmem>>
    %dma_start3A_589 = arith.constant 0 : i32
    %dma_start3A_590 = tpu.memref_slice %arg5[%dma_start3A_582, %dma_start3A_583, %dma_start3A_589] : memref<4x1x128xi32, #tpu.memory_space<vmem>> -> memref<1x1x128xi32, #tpu.memory_space<vmem>>
    %dma_start3A_591 = tpu.memref_squeeze %dma_start3A_590 : memref<1x1x128xi32, #tpu.memory_space<vmem>> -> memref<128xi32, #tpu.memory_space<vmem>>
    %dma_start3A_592 = arith.constant 0 : i32
    %dma_start3A_593 = arith.constant 0 : i32
    %dma_start3A_594 = tpu.memref_slice %arg2[%dma_start3A_592, %dma_start3A_593] : memref<2600000x32xf32, #tpu.memory_space<hbm>> -> memref<2600000x32xf32, #tpu.memory_space<hbm>>
    tpu.enqueue_indirect_dma source(%dma_start3A_594 : memref<2600000x32xf32, #tpu.memory_space<hbm>>) target(%dma_start3A_588 : memref<128x32xf32, #tpu.memory_space<vmem>>) offsets(%dma_start3A_591 : memref<128xi32, #tpu.memory_space<vmem>>) semaphore(%arg12 : memref<!tpu.dma_semaphore, #tpu.memory_space<semaphore_mem>>)
    %dma_wait3A_595 = arith.constant 0 : i32
    %dma_wait3A_596 = arith.constant 0 : i32
    %dma_wait3A_597 = arith.constant 0 : i32
    %dma_wait3A_598 = arith.constant 0 : i32
    %dma_wait3A_599 = arith.constant 0 : i32
    %dma_wait3A_600 = tpu.memref_slice %arg6[%dma_wait3A_597, %dma_wait3A_598, %dma_wait3A_599] : memref<2x128x32xf32, #tpu.memory_space<vmem>> -> memref<1x128x32xf32, #tpu.memory_space<vmem>>
    %dma_wait3A_601 = tpu.memref_squeeze %dma_wait3A_600 : memref<1x128x32xf32, #tpu.memory_space<vmem>> -> memref<128x32xf32, #tpu.memory_space<vmem>>
    %dma_wait3A_602 = arith.constant 0 : i32
    %dma_wait3A_603 = tpu.memref_slice %arg5[%dma_wait3A_595, %dma_wait3A_596, %dma_wait3A_602] : memref<4x1x128xi32, #tpu.memory_space<vmem>> -> memref<1x1x128xi32, #tpu.memory_space<vmem>>
    %dma_wait3A_604 = tpu.memref_squeeze %dma_wait3A_603 : memref<1x1x128xi32, #tpu.memory_space<vmem>> -> memref<128xi32, #tpu.memory_space<vmem>>
    %dma_wait3A_605 = arith.constant 0 : i32
    %dma_wait3A_606 = arith.constant 0 : i32
    %dma_wait3A_607 = tpu.memref_slice %arg2[%dma_wait3A_605, %dma_wait3A_606] : memref<2600000x32xf32, #tpu.memory_space<hbm>> -> memref<2600000x32xf32, #tpu.memory_space<hbm>>
    tpu.wait_indirect_dma semaphore(%arg11 : memref<!tpu.dma_semaphore, #tpu.memory_space<semaphore_mem>>) src(%dma_wait3A_607 : memref<2600000x32xf32, #tpu.memory_space<hbm>>) dst(%dma_wait3A_601 : memref<128x32xf32, #tpu.memory_space<vmem>>)
    %add3A_608 = arith.constant 13056 : i32
    %add3A_609 = arith.addi %mul3A_2, %add3A_608 : i32
    %dma_start3A_610 = arith.constant 0 : i32
    %dma_start3A_611 = arith.constant 0 : i32
    %dma_start3A_612 = arith.constant 0 : i32
    %dma_start3A_613 = tpu.memref_slice %arg6[%dma_start3A_610, %dma_start3A_611, %dma_start3A_612] : memref<2x128x32xf32, #tpu.memory_space<vmem>> -> memref<1x128x32xf32, #tpu.memory_space<vmem>>
    %dma_start3A_614 = tpu.memref_squeeze %dma_start3A_613 : memref<1x128x32xf32, #tpu.memory_space<vmem>> -> memref<128x32xf32, #tpu.memory_space<vmem>>
    %dma_start3A_615 = arith.constant 0 : i32
    %dma_start3A_616 = tpu.memref_slice %arg4[%add3A_609, %dma_start3A_615] : memref<425984x32xf32, #tpu.memory_space<hbm>> -> memref<128x32xf32, #tpu.memory_space<hbm>>
    %dma_start3A_617 = arith.constant 0 : i32
    %dma_start3A_618 = tpu.memref_slice %arg4[%add3A_609, %dma_start3A_617] : memref<425984x32xf32, #tpu.memory_space<hbm>> -> memref<128x32xf32, #tpu.memory_space<hbm>>
    %dma_start3A_619 = arith.constant 0 : i32
    %dma_start3A_620 = arith.constant 0 : i32
    %dma_start3A_621 = tpu.memref_slice %arg6[%dma_start3A_610, %dma_start3A_619, %dma_start3A_620] : memref<2x128x32xf32, #tpu.memory_space<vmem>> -> memref<1x128x32xf32, #tpu.memory_space<vmem>>
    %dma_start3A_622 = tpu.memref_squeeze %dma_start3A_621 : memref<1x128x32xf32, #tpu.memory_space<vmem>> -> memref<128x32xf32, #tpu.memory_space<vmem>>
    tpu.enqueue_dma source(%dma_start3A_622 : memref<128x32xf32, #tpu.memory_space<vmem>>) target(%dma_start3A_618 : memref<128x32xf32, #tpu.memory_space<hbm>>) target_semaphore(%arg13 : memref<!tpu.dma_semaphore, #tpu.memory_space<semaphore_mem>>)
    %dma_wait3A_623 = arith.constant 0 : i32
    %dma_wait3A_624 = arith.constant 0 : i32
    %dma_wait3A_625 = arith.constant 1 : i32
    %dma_wait3A_626 = arith.constant 0 : i32
    %dma_wait3A_627 = arith.constant 0 : i32
    %dma_wait3A_628 = tpu.memref_slice %arg6[%dma_wait3A_625, %dma_wait3A_626, %dma_wait3A_627] : memref<2x128x32xf32, #tpu.memory_space<vmem>> -> memref<1x128x32xf32, #tpu.memory_space<vmem>>
    %dma_wait3A_629 = tpu.memref_squeeze %dma_wait3A_628 : memref<1x128x32xf32, #tpu.memory_space<vmem>> -> memref<128x32xf32, #tpu.memory_space<vmem>>
    %dma_wait3A_630 = arith.constant 0 : i32
    %dma_wait3A_631 = tpu.memref_slice %arg5[%dma_wait3A_623, %dma_wait3A_624, %dma_wait3A_630] : memref<4x1x128xi32, #tpu.memory_space<vmem>> -> memref<1x1x128xi32, #tpu.memory_space<vmem>>
    %dma_wait3A_632 = tpu.memref_squeeze %dma_wait3A_631 : memref<1x1x128xi32, #tpu.memory_space<vmem>> -> memref<128xi32, #tpu.memory_space<vmem>>
    %dma_wait3A_633 = arith.constant 0 : i32
    %dma_wait3A_634 = arith.constant 0 : i32
    %dma_wait3A_635 = tpu.memref_slice %arg2[%dma_wait3A_633, %dma_wait3A_634] : memref<2600000x32xf32, #tpu.memory_space<hbm>> -> memref<2600000x32xf32, #tpu.memory_space<hbm>>
    tpu.wait_indirect_dma semaphore(%arg12 : memref<!tpu.dma_semaphore, #tpu.memory_space<semaphore_mem>>) src(%dma_wait3A_635 : memref<2600000x32xf32, #tpu.memory_space<hbm>>) dst(%dma_wait3A_629 : memref<128x32xf32, #tpu.memory_space<vmem>>)
    %add3A_636 = arith.constant 13184 : i32
    %add3A_637 = arith.addi %mul3A_2, %add3A_636 : i32
    %dma_start3A_638 = arith.constant 1 : i32
    %dma_start3A_639 = arith.constant 0 : i32
    %dma_start3A_640 = arith.constant 0 : i32
    %dma_start3A_641 = tpu.memref_slice %arg6[%dma_start3A_638, %dma_start3A_639, %dma_start3A_640] : memref<2x128x32xf32, #tpu.memory_space<vmem>> -> memref<1x128x32xf32, #tpu.memory_space<vmem>>
    %dma_start3A_642 = tpu.memref_squeeze %dma_start3A_641 : memref<1x128x32xf32, #tpu.memory_space<vmem>> -> memref<128x32xf32, #tpu.memory_space<vmem>>
    %dma_start3A_643 = arith.constant 0 : i32
    %dma_start3A_644 = tpu.memref_slice %arg4[%add3A_637, %dma_start3A_643] : memref<425984x32xf32, #tpu.memory_space<hbm>> -> memref<128x32xf32, #tpu.memory_space<hbm>>
    %dma_start3A_645 = arith.constant 0 : i32
    %dma_start3A_646 = tpu.memref_slice %arg4[%add3A_637, %dma_start3A_645] : memref<425984x32xf32, #tpu.memory_space<hbm>> -> memref<128x32xf32, #tpu.memory_space<hbm>>
    %dma_start3A_647 = arith.constant 0 : i32
    %dma_start3A_648 = arith.constant 0 : i32
    %dma_start3A_649 = tpu.memref_slice %arg6[%dma_start3A_638, %dma_start3A_647, %dma_start3A_648] : memref<2x128x32xf32, #tpu.memory_space<vmem>> -> memref<1x128x32xf32, #tpu.memory_space<vmem>>
    %dma_start3A_650 = tpu.memref_squeeze %dma_start3A_649 : memref<1x128x32xf32, #tpu.memory_space<vmem>> -> memref<128x32xf32, #tpu.memory_space<vmem>>
    tpu.enqueue_dma source(%dma_start3A_650 : memref<128x32xf32, #tpu.memory_space<vmem>>) target(%dma_start3A_646 : memref<128x32xf32, #tpu.memory_space<hbm>>) target_semaphore(%arg14 : memref<!tpu.dma_semaphore, #tpu.memory_space<semaphore_mem>>)
    %dma_wait3A_651 = arith.constant 0 : i32
    %dma_wait3A_652 = arith.constant 0 : i32
    %dma_wait3A_653 = arith.constant 0 : i32
    %dma_wait3A_654 = tpu.memref_slice %arg6[%dma_wait3A_651, %dma_wait3A_652, %dma_wait3A_653] : memref<2x128x32xf32, #tpu.memory_space<vmem>> -> memref<1x128x32xf32, #tpu.memory_space<vmem>>
    %dma_wait3A_655 = tpu.memref_squeeze %dma_wait3A_654 : memref<1x128x32xf32, #tpu.memory_space<vmem>> -> memref<128x32xf32, #tpu.memory_space<vmem>>
    %dma_wait3A_656 = arith.constant 0 : i32
    %dma_wait3A_657 = tpu.memref_slice %arg4[%mul3A_2, %dma_wait3A_656] : memref<425984x32xf32, #tpu.memory_space<hbm>> -> memref<128x32xf32, #tpu.memory_space<hbm>>
    %dma_wait3A_658 = arith.constant 0 : i32
    %dma_wait3A_659 = tpu.memref_slice %arg4[%mul3A_2, %dma_wait3A_658] : memref<425984x32xf32, #tpu.memory_space<hbm>> -> memref<128x32xf32, #tpu.memory_space<hbm>>
    %dma_wait3A_660 = arith.constant 0 : i32
    %dma_wait3A_661 = arith.constant 0 : i32
    %dma_wait3A_662 = tpu.memref_slice %arg6[%dma_wait3A_651, %dma_wait3A_660, %dma_wait3A_661] : memref<2x128x32xf32, #tpu.memory_space<vmem>> -> memref<1x128x32xf32, #tpu.memory_space<vmem>>
    %dma_wait3A_663 = tpu.memref_squeeze %dma_wait3A_662 : memref<1x128x32xf32, #tpu.memory_space<vmem>> -> memref<128x32xf32, #tpu.memory_space<vmem>>
    tpu.wait_dma2 semaphore(%arg13 : memref<!tpu.dma_semaphore, #tpu.memory_space<semaphore_mem>>) src(%dma_wait3A_663 : memref<128x32xf32, #tpu.memory_space<vmem>>) dst(%dma_wait3A_659 : memref<128x32xf32, #tpu.memory_space<hbm>>)
    %dma_wait3A_664 = arith.constant 1 : i32
    %dma_wait3A_665 = arith.constant 0 : i32
    %dma_wait3A_666 = arith.constant 0 : i32
    %dma_wait3A_667 = tpu.memref_slice %arg6[%dma_wait3A_664, %dma_wait3A_665, %dma_wait3A_666] : memref<2x128x32xf32, #tpu.memory_space<vmem>> -> memref<1x128x32xf32, #tpu.memory_space<vmem>>
    %dma_wait3A_668 = tpu.memref_squeeze %dma_wait3A_667 : memref<1x128x32xf32, #tpu.memory_space<vmem>> -> memref<128x32xf32, #tpu.memory_space<vmem>>
    %dma_wait3A_669 = arith.constant 0 : i32
    %dma_wait3A_670 = tpu.memref_slice %arg4[%mul3A_2, %dma_wait3A_669] : memref<425984x32xf32, #tpu.memory_space<hbm>> -> memref<128x32xf32, #tpu.memory_space<hbm>>
    %dma_wait3A_671 = arith.constant 0 : i32
    %dma_wait3A_672 = tpu.memref_slice %arg4[%mul3A_2, %dma_wait3A_671] : memref<425984x32xf32, #tpu.memory_space<hbm>> -> memref<128x32xf32, #tpu.memory_space<hbm>>
    %dma_wait3A_673 = arith.constant 0 : i32
    %dma_wait3A_674 = arith.constant 0 : i32
    %dma_wait3A_675 = tpu.memref_slice %arg6[%dma_wait3A_664, %dma_wait3A_673, %dma_wait3A_674] : memref<2x128x32xf32, #tpu.memory_space<vmem>> -> memref<1x128x32xf32, #tpu.memory_space<vmem>>
    %dma_wait3A_676 = tpu.memref_squeeze %dma_wait3A_675 : memref<1x128x32xf32, #tpu.memory_space<vmem>> -> memref<128x32xf32, #tpu.memory_space<vmem>>
    tpu.wait_dma2 semaphore(%arg14 : memref<!tpu.dma_semaphore, #tpu.memory_space<semaphore_mem>>) src(%dma_wait3A_676 : memref<128x32xf32, #tpu.memory_space<vmem>>) dst(%dma_wait3A_672 : memref<128x32xf32, #tpu.memory_space<hbm>>)
    return
  }
}

</mosaic_0001>

<sc_bundles>
// kernel: kernel.3.cloned.1.call-start
scs
__scs_entry_jumppad:
0x0: {  	(pc) =	sbr.rel $0x88, $3  }
0x1: {  	(tag) =	ssettag $0x0;
	lr =	simm.s32 $0x1  }
0x2: {  	[smem:$0x3F9F] =	sst lr;
	_ =	strace $0xD0000000  }
0x3: {  	_ = 	snop  }
0x4: {  	_ = 	snop  }
0x5: {  	_ = 	snop  }
0x6: {  	_ = 	snop  }
0x7: {  	_ = 	snop  }
__scs_overlays_trampoline_lowered:
0x8: {  	[smem:$0x3FAE] =	sst s0  }
0x9: {  	[smem:$0x3FAF] =	sst s1  }
0xa: {  	[smem:$0x3FB0] =	sst s2  }
0xb: {  	[smem:$0x3FB1] =	sst s3  }
0xc: {  	[smem:$0x3FB2] =	sst s4  }
0xd: {  	[smem:$0x3FB3] =	sst s5  }
0xe: {  	[smem:$0x3FB4] =	sst s6  }
0xf: {  	[smem:$0x3FB5] =	sst s7  }
0x10: {  	[smem:$0x3FB6] =	sst s8  }
0x11: {  	[smem:$0x3FB7] =	sst s9;
	s0 =	simm.s32 @!p0 $0x0  }
0x12: {  	s1 =	sld [smem:$0x3F9D];
	s0 =	simm.s32 @p0 $0x1  }
0x13: {  	[smem:$0x3FB8] =	sst s0;
	s0 =	simm.s32 @!p1 $0x0  }
0x14: {  	s2 =	sld [smem:$0x3F9C];
	s0 =	simm.s32 @p1 $0x1  }
0x15: {  	[smem:$0x3FB9] =	sst s0;
	s0 =	simm.s32 @!p2 $0x0  }
0x16: {  	s3 =	sld [smem:$0x3FDB];
	s0 =	simm.s32 @p2 $0x1  }
0x17: {  	s4 =	simm.s32 $0x1BF5;
	[smem:$0x3FBB] =	sst s0  }
0x18: {  	s0 =	sld [smem:$0x3F9E];
	_ =	swait.ge [sflag:s4], $0x0  }
0x19: {  	s7 =	sld [smem:$0x3F9F]  }
0x1a: {  	s8 =	sadd.s32 $0xFFFFE003, lr  }
0x1b: {  	s9 =	sadd.s32 $0xFFFFFEF7, lr;
	s5 =	simm.s32 $0xFFFFFFFF;
	p2 =	slt.u32 s8, $0xFFFFF086  }
0x1c: {  	p1 =	slt.u32 s9, $0xF7A;
	s5 =	simm.s32 @!p2 $0x0  }
0x1d: {  	s5 =	simm.s32 @p1 $0x1;
	p0 =	seq.s32 s7, s2  }
0x1e: {  	s7 =	smul.u32 @!p0 $0xF7A, s2;
	p2 =	seq.s32 @!p0 s5, $0x0  }
0x1f: {  	s9 =	smul.u32 $0xF7A, s1;
	s8 =	simm.s32 @!p0 $0x1BF5;
	p2 =	por !p2, p0  }
0x20: {  	[sflag:s8] =	ssyncset.s32 @!p0 $0xFFFFF086;
	s6 =	sadd.s32 @!p0 s3, s7;
	s7 =	simm.s32 @!p0 $0x108  }
0x21: {  	s3 =	sadd.s32 s3, s9;
	s6 =	sadd.s32 @!p0 $0x88, s6;
	s7 =	simm.s32 @p2 $0x1082  }
0x22: {  	[simem:s7], [sflag:s8] =	dma.local @!p0 [hbm:s6], $0xF7A  }
0x23: {  	s9 =	sor.u32 $0xD0000000, s2;
	s6 =	simm.s32 $0x108;
	_ =	swait.ge @!p0 [sflag:s8], $0x0  }
0x24: {  	s3 =	sadd.s32 $0x88, s3;
	s6 =	simm.s32 @!p1 $0x1082;
	[sflag:s4] =	ssyncset.s32 $0xFFFFF086  }
0x25: {  	[simem:s6], [sflag:s4] =	dma.local [hbm:s3], $0xF7A  }
0x26: {  	[smem:$0x3F9F] =	sst s1;
	(tag) =	ssettag s2;
	_ =	strace s9  }
0x27: {  	s1 =	sld [smem:$0x3FAF]  }
0x28: {  	s2 =	sld [smem:$0x3FB0]  }
0x29: {  	s4 =	sld [smem:$0x3FB2]  }
0x2a: {  	p0 =	seq.s32 s5, $0x0;
	s5 =	sld [smem:$0x3FB3]  }
0x2b: {  	s6 =	sld [smem:$0x3FB4]  }
0x2c: {  	s7 =	sld [smem:$0x3FB5]  }
0x2d: {  	s3 =	simm.s32 $0x108;
	s8 =	sld [smem:$0x3FB6]  }
0x2e: {  	s3 =	simm.s32 @!p0 $0x1082;
	s9 =	sld [smem:$0x3FB7]  }
0x2f: {  	lr =	sadd.s32 s0, s3;
	s0 =	sld [smem:$0x3FAE]  }
0x30: {  	s3 =	sld [smem:$0x3FB1]  }
0x31: {  	[smem:$0x3FBA] =	sst s10  }
0x32: {  	s10 =	sld [smem:$0x3FB8];
	_ =	sdelay $0x3  }
0x33: {  	p0 =	seq.s32 s10, $0x1;
	s10 =	sld [smem:$0x3FBA];
	_ =	sdelay $0x3  }
0x34: {  	[smem:$0x3FBA] =	sst s10  }
0x35: {  	s10 =	sld [smem:$0x3FB9];
	_ =	sdelay $0x3  }
0x36: {  	p1 =	seq.s32 s10, $0x1;
	s10 =	sld [smem:$0x3FBA];
	_ =	sdelay $0x3  }
0x37: {  	[smem:$0x3FBA] =	sst s10  }
0x38: {  	s10 =	sld [smem:$0x3FBB]  }
0x39: {  	_ = 	snop;
	(pc) =	sbr.ind lr, $3  }
0x3a: {  	_ = 	snop  }
0x3b: {  	_ = 	snop  }
0x3c: {  	p2 =	seq.s32 s10, $0x1;
	s10 =	sld [smem:$0x3FBA]  }
0x3d: {  	_ =	shalt  }
0x3e: {  	_ =	shalt  }
0x3f: {  	_ =	shalt  }
0x40: {  	_ =	shalt  }
0x41: {  	_ =	shalt  }
0x42: {  	_ =	shalt  }
0x43: {  	_ =	shalt  }
0x44: {  	_ =	shalt  }
0x45: {  	_ =	shalt  }
0x46: {  	_ =	shalt  }
0x47: {  	_ =	shalt  }
0x48: {  	_ =	shalt  }
0x49: {  	_ =	shalt  }
0x4a: {  	_ =	shalt  }
0x4b: {  	_ =	shalt  }
0x4c: {  	_ =	shalt  }
0x4d: {  	_ =	shalt  }
0x4e: {  	_ =	shalt  }
0x4f: {  	_ =	shalt  }
0x50: {  	_ =	shalt  }
0x51: {  	_ =	shalt  }
0x52: {  	_ =	shalt  }
0x53: {  	_ =	shalt  }
0x54: {  	_ =	shalt  }
0x55: {  	_ =	shalt  }
0x56: {  	_ =	shalt  }
0x57: {  	_ =	shalt  }
0x58: {  	_ =	shalt  }
0x59: {  	_ =	shalt  }
0x5a: {  	_ =	shalt  }
0x5b: {  	_ =	shalt  }
0x5c: {  	_ =	shalt  }
0x5d: {  	_ =	shalt  }
0x5e: {  	_ =	shalt  }
0x5f: {  	_ =	shalt  }
0x60: {  	_ =	shalt  }
0x61: {  	_ =	shalt  }
0x62: {  	_ =	shalt  }
0x63: {  	_ =	shalt  }
0x64: {  	_ =	shalt  }
0x65: {  	_ =	shalt  }
0x66: {  	_ =	shalt  }
0x67: {  	_ =	shalt  }
0x68: {  	_ =	shalt  }
0x69: {  	_ =	shalt  }
0x6a: {  	_ =	shalt  }
0x6b: {  	_ =	shalt  }
0x6c: {  	_ =	shalt  }
0x6d: {  	_ =	shalt  }
0x6e: {  	_ =	shalt  }
0x6f: {  	_ =	shalt  }
0x70: {  	_ =	shalt  }
0x71: {  	_ =	shalt  }
0x72: {  	_ =	shalt  }
0x73: {  	_ =	shalt  }
0x74: {  	_ =	shalt  }
0x75: {  	_ =	shalt  }
0x76: {  	_ =	shalt  }
0x77: {  	_ =	shalt  }
0x78: {  	_ =	shalt  }
0x79: {  	_ =	shalt  }
0x7a: {  	_ =	shalt  }
0x7b: {  	_ =	shalt  }
0x7c: {  	_ =	shalt  }
0x7d: {  	_ =	shalt  }
0x7e: {  	_ =	shalt  }
0x7f: {  	_ =	shalt  }
0x80: {  	_ =	shalt  }
0x81: {  	_ =	shalt  }
0x82: {  	_ =	shalt  }
0x83: {  	_ =	shalt  }
0x84: {  	_ =	shalt  }
0x85: {  	_ =	shalt  }
0x86: {  	_ =	shalt  }
0x87: {  	_ =	shalt  }
.Lfunc_end0:
.L_simem_size_0:
called_computation.1_lowered:
.L_overlay_start_0:
0x88: {  	s2 =	sld [smem:$0x3FD9]  }
0x89: {  	s3 =	sld [smem:$0x3FFE];
	_ =	sdelay $0x1  }
0x8a: {  	s1 =	srdreg.scid  }
0x8b: {  	s0 =	sand.u32 $0x1, s1  }
0x8c: {  	s17 =	sshll.u32 s0, $0xA;
	s2 =	sadd.s32 s3, s2  }
0x8d: {  	s2 =	sadd.s32 s2, s17  }
0x8e: {  	[smem:$0x3FC6] =	sst s2  }
0x8f: {  	_ = 	snop  }
0x90: {  	s2 =	sld [smem:$0x3FD0];
	(tm) =	ssettm $0x1  }
0x91: {  	s18 =	sld [smem:$0x3FFB];
	_ =	sdelay $0x3  }
0x92: {  	_ =	strace s18  }
0x93: {  	s3 =	sld [smem:$0x3FFC];
	_ =	sdelay $0x3  }
0x94: {  	_ =	strace s3  }
0x95: {  	s3 =	sld [smem:$0x3FFD];
	_ =	sdelay $0x3  }
0x96: {  	_ =	strace s3  }
0x97: {  	_ =	strace $0x8FFFFFFF  }
0x98: {  	s19 =	sld [smem:$0x3FDB];
	_ =	sdelay $0x1  }
0x99: {  	s4 =	simm.s32 $_scs_section_size  }
0x9a: {  	s5 =	simm.s32 $_size__tile_overlayer_lowered;
	s6 =	simm.s32 $_tile_overlayer_lowered  }
0x9b: {  	s22 =	simm.s32 $0x1BFF;
	s21 =	sshll.u32 s6, $0x1;
	s3 =	sadd.s32 s4, s19  }
0x9c: {  	s7 =	simm.s32 $0x0;
	s20 =	sshll.u32 s5, $0x1;
	s5 =	sadd.s32 s21, s3  }
0x9d: {  	[timem:s7], [sflag:s22] =	dma.local [hbm:s5], s20  }
0x9e: {  	_ =	swait.ge [sflag:s22], s20  }
0x9f: {  	s4 =	ssub.s32 $0x0, s20;
	[sflag:s22] =	ssyncset.done $0x0  }
0xa0: {  	[sflag:s22] =	ssyncadd.s32 s4;
	_ =	sdelay $0x1  }
0xa1: {  	s23 =	simm.s32 $0x1B8B  }
0xa2: {  	_ =	swait.ge [sflag:s23], $0x1  }
0xa3: {  	[sflag:s23] =	ssyncset.done $0x0  }
0xa4: {  	s25 =	simm.s32 $0x1B8E;
	s24 =	sld [smem:$0x3FFE];
	[sflag:s23] =	ssyncadd.s32 $0xFFFFFFFF  }
0xa5: {  	s26 =	simm.s32 $execute0_lowered;
	[smem:$0x3FD2] =	sst s25  }
0xa6: {  	s5 =	sshll.u32 s26, $0x1;
	_ =	strace $0x80000046;
	[dreg:$0x1] =	wrdreg $0xFFFFFFFF  }
0xa7: {  	s28 =	simm.s32 $_size_execute0_lowered;
	s3 =	sadd.s32 s3, s5;
	[dreg:$0x0] =	wrdreg $0x0  }
0xa8: {  	s5 =	sshll.u32 s28, $0x1;
	[dreg:$0x2] =	wrdreg s3  }
0xa9: {  	[dreg:$0x3] =	wrdreg s5  }
0xaa: {  	[dreg:$0x4] =	wrdreg $0xC0  }
0xab: {  	_ =	task [dreg:s7], $0x5FFFF  }
0xac: {  	[dreg:$0x1] =	wrdreg $0xFFFFFFFF  }
0xad: {  	[dreg:$0x0] =	wrdreg $0x60  }
0xae: {  	[dreg:$0x2] =	wrdreg s24  }
0xaf: {  	[dreg:$0x3] =	wrdreg s2  }
0xb0: {  	[dreg:$0x4] =	wrdreg $0x9  }
0xb1: {  	_ =	task.clear_ibuf [dreg:s7], $0x5FFFF;
	_ =	strace $0x90000046  }
0xb2: {  	s29 =	simm.s32 $0x9;
	_ =	strace $0x80000048  }
0xb3: {  	_ =	swait.ge [sflag:s29], $0x1  }
0xb4: {  	[sflag:s29] =	ssyncadd.s32 $0xFFFFFFFF  }
0xb5: {  	_ =	strace $0x90000048  }
0xb6: {  	_ =	sfence  }
0xb7: {  	s30 =	sld [smem:$0x0];
	_ =	sdelay $0x2  }
0xb8: {  	s31 =	sshll.u32 s1, $0xD;
	s1 =	sshrl.u32 s1, $0x2  }
0xb9: {  	s3 =	sand.u32 $0x4000, s31;
	s1 =	sadd.s32 s1, s30  }
0xba: {  	s0 =	sor.u32 s3, s0;
	s1 =	sshll.u32 s1, $0x11  }
0xbb: {  	s0 =	sor.u32 s1, s0  }
0xbc: {  	s0 =	sadd.s32 $0x8F2B, s0  }
0xbd: {  	[sflag:s0] =	ssyncadd.remote.s32 $0x1  }
0xbe: {  	_ =	sfence.sel $0xFFFF  }
0xbf: {  	[dreg:$0x0] =	wrdreg $0xFFFFFFFF;
	(pc) =	sbr.abs _section_cstart, $3  }
0xc0: {  	[dreg:$0x1] =	wrdreg $0xFFFFFFFF  }
0xc1: {  	_ =	task.clear_ibuf [dreg:s7], $0x2FFFF;
	_ =	strace $0x9FFFFFFF  }
0xc2: {  	(tm) =	ssettm $0x7FFFFFFF  }
0xc3: {  	_ =	shalt  }
tec
execute0_lowered:
.L_overlay_start_1:
0x0: {  	(tag) =	ssettag $0x1  }
0x1: {  	s0 =	rddreg [dreg:$0x0]  }
0x2: {  	s1 =	srdreg.scid;
	s14 =	stileid.u32  }
0x3: {  	s4 =	rddreg [dreg:$0x1];
	s2 =	simm.s32 $0x0;
	s16 =	smul.u32 $0xD0000, s14  }
0x4: {  	s29 =	simm.s32 $0x80;
	s1 =	sand.u32 $0x1, s1;
	s18 =	smul.u32 $0x6800, s14  }
0x5: {  	s30 =	simm.s32 $0x100;
	s3 =	sshll.u32 s14, $0x1;
	s17 =	smul.u32 $0x68000, s1  }
0x6: {  	s5 =	sor.u32 s1, s3;
	s7 =	ssub.s32 $0x2, s1;
	s1 =	smul.u32 $0x3400, s1  }
0x7: {  	s31 =	simm.s32 $0x180;
	[smem:$0x7FF] =	sst s2;
	s6 =	smul.u32 $0x3400, s5  }
0x8: {  	_ =	strace $0x80000047;
	s3 =	sadd.s32 $0x27AD000, s0;
	s13 =	smul.u32 $0xD000, s5  }
0x9: {  	s0 =	sadd.s32 $0xC00, s0;
	s8 =	sshrl.u32 s7, $0x1;
	s5 =	smul.u32 $0x68000, s5  }
0xa: {  	s7 =	ssub.s32 s7, s8;
	s22 =	sadd.s32 s17, s16;
	s1 =	sadd.s32 s1, s18  }
0xb: {  	s9 =	sshrl.u32 s6, $0x3;
	s23 =	sor.u32 $0x80, s6;
	s10 =	sor.u32 $0x100, s6  }
0xc: {  	s6 =	sor.u32 $0x180, s6;
	s28 =	sadd.s32 s4, s13;
	s5 =	sshrl.u32 s5, $0x3  }
0xd: {  	s7 =	smax.u32 s7, $0x1;
	s15 =	sadd.s32 s0, s9;
	[dreg:$0x8] =	wrdreg s28  }
0xe: {  	s24 =	sshrl.u32 s23, $0x3;
	s11 =	sshrl.u32 s10, $0x3;
	[dreg:$0x12] =	wrdreg s7  }
0xf: {  	s12 =	sshrl.u32 s6, $0x3;
	s9 =	sadd.s32 s0, s24;
	[dreg:$0x4] =	wrdreg s15  }
0x10: {  	s8 =	sshll.u32 s23, $0x2;
	s25 =	sadd.s32 s0, s11;
	[dreg:$0x5] =	wrdreg s9  }
0x11: {  	s6 =	sshll.u32 s6, $0x2;
	s26 =	sadd.s32 s0, s12;
	[dreg:$0x6] =	wrdreg s25  }
0x12: {  	s5 =	sadd.s32 s4, s5;
	s11 =	sadd.s32 $0x40, s15;
	[dreg:$0x7] =	wrdreg s26  }
0x13: {  	s23 =	sshll.u32 s1, $0x2;
	s8 =	sadd.s32 s4, s8;
	[dreg:$0x9] =	wrdreg s11  }
0x14: {  	s12 =	sshll.u32 s10, $0x2;
	s13 =	sadd.s32 $0x50, s15;
	[dreg:$0xa] =	wrdreg s8  }
0x15: {  	s6 =	sadd.s32 s4, s6;
	s19 =	sadd.s32 $0xC800, s5;
	[dreg:$0xb] =	wrdreg s13  }
0x16: {  	s20 =	sadd.s32 $0xCA00, s5;
	s21 =	sadd.s32 $0xCC00, s5;
	[dreg:$0xd] =	wrdreg s6  }
0x17: {  	s5 =	sadd.s32 $0xCE00, s5;
	s7 =	sadd.s32 s23, s4;
	[dreg:$0xe] =	wrdreg s19  }
0x18: {  	s24 =	sadd.s32 $0x500, s1;
	s28 =	sadd.s32 $0x70, s15;
	[dreg:$0xf] =	wrdreg s20  }
0x19: {  	s10 =	simm.s32 $0x6;
	s8 =	sadd.s32 s4, s12;
	[dreg:$0x10] =	wrdreg s21  }
0x1a: {  	[dreg:$0x11] =	wrdreg s5;
	s5 =	sor.u32 $0x4000, s22;
	s6 =	sadd.s32 $0x580, s1  }
0x1b: {  	s20 =	sadd.s32 $0xE00, s7;
	s25 =	sadd.s32 $0x480, s1;
	s1 =	sadd.s32 $0x400, s1  }
0x1c: {  	s26 =	sadd.s32 $0x60, s15;
	[dreg:$0x14] =	wrdreg s28;
	s9 =	simm.s32 $0x7  }
0x1d: {  	s11 =	simm.s32 $0x4;
	s12 =	simm.s32 $0x8;
	s13 =	simm.s32 $0x0  }
0x1e: {  	[dreg:$0xc] =	wrdreg s8;
	s5 =	sshrl.u32 s5, $0x3;
	s6 =	sshrl.u32 s6, $0x3  }
0x1f: {  	s1 =	sshrl.u32 s1, $0x3;
	[dreg:$0x13] =	wrdreg s26;
	s8 =	simm.s32 $0x3  }
0x20: {  	s5 =	sadd.s32 s5, s4;
	s4 =	sadd.s32 s6, s0;
	s6 =	sshrl.u32 s25, $0x3  }
0x21: {  	s23 =	sadd.s32 s1, s0;
	s25 =	sadd.s32 $0xA00, s7;
	s1 =	simm.s32 $0x1  }
0x22: {  	[dreg:$0x3] =	wrdreg s5;
	s5 =	sshrl.u32 s24, $0x3;
	s22 =	sadd.s32 s6, s0  }
0x23: {  	s24 =	sadd.s32 $0xC00, s7;
	s6 =	simm.s32 $0x1200;
	s7 =	simm.s32 $0x5  }
0x24: {  	s21 =	sadd.s32 s5, s0;
	s0 =	simm.s32 $0x200;
	s5 =	simm.s32 $0x2  }
.LBB2_1:
0x25: {  	s14 =	rddreg [dreg:$0x4]  }
0x26: {  	[tilespmem:s2], [sflag:$0x1] =	stream.linear.gather [hbm4b:s14+s2], $0x80, $0x38;
	[tilespmem:$0x2200] =	vst v63  }
0x27: {  	s28 =	rddreg [dreg:$0x5]  }
0x28: {  	[tilespmem:s29], [sflag:$0x2] =	stream.linear.gather [hbm4b:s28+s2], $0x80, $0x38;
	[tilespmem:$0x2200] =	vst v63  }
0x29: {  	s15 =	rddreg [dreg:$0x6]  }
0x2a: {  	[tilespmem:s30], [sflag:$0x3] =	stream.linear.gather [hbm4b:s15+s2], $0x80, $0x38;
	[tilespmem:$0x2200] =	vst v63  }
0x2b: {  	s16 =	rddreg [dreg:$0x7]  }
0x2c: {  	[tilespmem:s31], [sflag:$0x4] =	stream.linear.gather [hbm4b:s16+s2], $0x80, $0x38;
	[tilespmem:$0x2200] =	vst v63  }
0x2d: {  	_ =	swait.ge [sflag:s1], $0x80  }
0x2e: {  	[sflag:s1] =	ssyncset.done $0x0  }
0x2f: {  	[sflag:s1] =	ssyncadd.s32 $0xFFFFFF80  }
0x30: {  	[tilespmem:s0], [sflag:$0x5] =	stream.indirect.gather [hbm4b:s3+s29], $0x20, s2, s29, $0xb8;
	[tilespmem:$0x2200] =	vst v63  }
0x31: {  	_ =	swait.ge [sflag:s5], $0x80  }
0x32: {  	[sflag:s5] =	ssyncset.done $0x0  }
0x33: {  	[sflag:s5] =	ssyncadd.s32 $0xFFFFFF80  }
0x34: {  	[tilespmem:s6], [sflag:$0x6] =	stream.indirect.gather [hbm4b:s3+s29], $0x20, s29, s29, $0xb8;
	[tilespmem:$0x2200] =	vst v63  }
0x35: {  	_ =	swait.ge [sflag:s7], $0x1000  }
0x36: {  	[sflag:s7] =	ssyncset.done $0x0  }
0x37: {  	s17 =	rddreg [dreg:$0x8];
	[sflag:s7] =	ssyncadd.s32 $0xFFFFF000  }
0x38: {  	[hbm4b:s17+s2] =	stream.linear.scatter [tilespmem:s0], [sflag:$0x7], $0x1000, $0x38;
	[tilespmem:$0x2200] =	vst v63  }
0x39: {  	s18 =	rddreg [dreg:$0x9]  }
0x3a: {  	[tilespmem:s2], [sflag:$0x1] =	stream.linear.gather [hbm4b:s18+s2], $0x80, $0x38;
	[tilespmem:$0x2200] =	vst v63  }
0x3b: {  	_ =	swait.ge [sflag:s8], $0x80  }
0x3c: {  	[sflag:s8] =	ssyncset.done $0x0  }
0x3d: {  	[sflag:s8] =	ssyncadd.s32 $0xFFFFFF80  }
0x3e: {  	_ =	swait.ge [sflag:s9], $0x1000  }
0x3f: {  	[sflag:s9] =	ssyncset.done $0x0  }
0x40: {  	[sflag:s9] =	ssyncadd.s32 $0xFFFFF000  }
0x41: {  	[tilespmem:s0], [sflag:$0x5] =	stream.indirect.gather [hbm4b:s3+s29], $0x20, s30, s29, $0xb8;
	[tilespmem:$0x2200] =	vst v63  }
0x42: {  	_ =	swait.ge [sflag:s10], $0x1000  }
0x43: {  	[sflag:s10] =	ssyncset.done $0x0  }
0x44: {  	s19 =	rddreg [dreg:$0xa];
	[sflag:s10] =	ssyncadd.s32 $0xFFFFF000  }
0x45: {  	[hbm4b:s19+s2] =	stream.linear.scatter [tilespmem:s6], [sflag:$0x8], $0x1000, $0x38;
	[tilespmem:$0x2200] =	vst v63  }
0x46: {  	s26 =	rddreg [dreg:$0xb]  }
0x47: {  	[tilespmem:s29], [sflag:$0x2] =	stream.linear.gather [hbm4b:s26+s2], $0x80, $0x38;
	[tilespmem:$0x2200] =	vst v63  }
0x48: {  	_ =	swait.ge [sflag:s11], $0x80  }
0x49: {  	[sflag:s11] =	ssyncset.done $0x0  }
0x4a: {  	[sflag:s11] =	ssyncadd.s32 $0xFFFFFF80  }
0x4b: {  	_ =	swait.ge [sflag:s12], $0x1000  }
0x4c: {  	[sflag:s12] =	ssyncset.done $0x0  }
0x4d: {  	[sflag:s12] =	ssyncadd.s32 $0xFFFFF000  }
0x4e: {  	[tilespmem:s6], [sflag:$0x6] =	stream.indirect.gather [hbm4b:s3+s29], $0x20, s31, s29, $0xb8;
	[tilespmem:$0x2200] =	vst v63  }
0x4f: {  	_ =	swait.ge [sflag:s7], $0x1000  }
0x50: {  	[sflag:s7] =	ssyncset.done $0x0  }
0x51: {  	s28 =	rddreg [dreg:$0xc];
	[sflag:s7] =	ssyncadd.s32 $0xFFFFF000  }
0x52: {  	[hbm4b:s28+s2] =	stream.linear.scatter [tilespmem:s0], [sflag:$0x7], $0x1000, $0x38;
	[tilespmem:$0x2200] =	vst v63  }
0x53: {  	s15 =	rddreg [dreg:$0x13]  }
0x54: {  	[tilespmem:s30], [sflag:$0x3] =	stream.linear.gather [hbm4b:s15+s2], $0x80, $0x38;
	[tilespmem:$0x2200] =	vst v63  }
0x55: {  	_ =	swait.ge [sflag:s1], $0x80  }
0x56: {  	[sflag:s1] =	ssyncset.done $0x0  }
0x57: {  	[sflag:s1] =	ssyncadd.s32 $0xFFFFFF80  }
0x58: {  	_ =	swait.ge [sflag:s9], $0x1000  }
0x59: {  	[sflag:s9] =	ssyncset.done $0x0  }
0x5a: {  	[sflag:s9] =	ssyncadd.s32 $0xFFFFF000  }
0x5b: {  	[tilespmem:s0], [sflag:$0x5] =	stream.indirect.gather [hbm4b:s3+s29], $0x20, s2, s29, $0xb8;
	[tilespmem:$0x2200] =	vst v63  }
0x5c: {  	_ =	swait.ge [sflag:s10], $0x1000  }
0x5d: {  	[sflag:s10] =	ssyncset.done $0x0  }
0x5e: {  	s16 =	rddreg [dreg:$0xd];
	[sflag:s10] =	ssyncadd.s32 $0xFFFFF000  }
0x5f: {  	[hbm4b:s16+s2] =	stream.linear.scatter [tilespmem:s6], [sflag:$0x8], $0x1000, $0x38;
	[tilespmem:$0x2200] =	vst v63  }
0x60: {  	s17 =	rddreg [dreg:$0x14]  }
0x61: {  	[tilespmem:s31], [sflag:$0x4] =	stream.linear.gather [hbm4b:s17+s2], $0x80, $0x38;
	[tilespmem:$0x2200] =	vst v63  }
0x62: {  	_ =	swait.ge [sflag:s5], $0x80  }
0x63: {  	[sflag:s5] =	ssyncset.done $0x0  }
0x64: {  	[sflag:s5] =	ssyncadd.s32 $0xFFFFFF80  }
0x65: {  	_ =	swait.ge [sflag:s12], $0x1000  }
0x66: {  	[sflag:s12] =	ssyncset.done $0x0  }
0x67: {  	[sflag:s12] =	ssyncadd.s32 $0xFFFFF000  }
0x68: {  	[tilespmem:s6], [sflag:$0x6] =	stream.indirect.gather [hbm4b:s3+s29], $0x20, s29, s29, $0xb8;
	[tilespmem:$0x2200] =	vst v63  }
0x69: {  	_ =	swait.ge [sflag:s7], $0x1000  }
0x6a: {  	s18 =	rddreg [dreg:$0x3];
	[sflag:s7] =	ssyncset.done $0x0  }
0x6b: {  	[sflag:s7] =	ssyncadd.s32 $0xFFFFF000;
	s14 =	sadd.s32 $0x0, s18  }
0x6c: {  	[hbm4b:s14+s2] =	stream.linear.scatter [tilespmem:s0], [sflag:$0x7], $0x1000, $0x38;
	[tilespmem:$0x2200] =	vst v63  }
0x6d: {  	_ = 	snop  }
0x6e: {  	[tilespmem:s2], [sflag:$0x1] =	stream.linear.gather [hbm4b:s23+s2], $0x80, $0x38;
	[tilespmem:$0x2200] =	vst v63  }
0x6f: {  	_ =	swait.ge [sflag:s8], $0x80  }
0x70: {  	[sflag:s8] =	ssyncset.done $0x0  }
0x71: {  	[sflag:s8] =	ssyncadd.s32 $0xFFFFFF80  }
0x72: {  	_ =	swait.ge [sflag:s9], $0x1000  }
0x73: {  	[sflag:s9] =	ssyncset.done $0x0  }
0x74: {  	[sflag:s9] =	ssyncadd.s32 $0xFFFFF000  }
0x75: {  	[tilespmem:s0], [sflag:$0x5] =	stream.indirect.gather [hbm4b:s3+s29], $0x20, s30, s29, $0xb8;
	[tilespmem:$0x2200] =	vst v63  }
0x76: {  	_ =	swait.ge [sflag:s10], $0x1000  }
0x77: {  	[sflag:s10] =	ssyncset.done $0x0  }
0x78: {  	s19 =	sadd.s32 $0x0, s25;
	[sflag:s10] =	ssyncadd.s32 $0xFFFFF000  }
0x79: {  	[hbm4b:s19+s2] =	stream.linear.scatter [tilespmem:s6], [sflag:$0x8], $0x1000, $0x38;
	[tilespmem:$0x2200] =	vst v63  }
0x7a: {  	_ = 	snop  }
0x7b: {  	[tilespmem:s29], [sflag:$0x2] =	stream.linear.gather [hbm4b:s22+s2], $0x80, $0x38;
	[tilespmem:$0x2200] =	vst v63  }
0x7c: {  	_ =	swait.ge [sflag:s11], $0x80  }
0x7d: {  	[sflag:s11] =	ssyncset.done $0x0  }
0x7e: {  	[sflag:s11] =	ssyncadd.s32 $0xFFFFFF80  }
0x7f: {  	_ =	swait.ge [sflag:s12], $0x1000  }
0x80: {  	[sflag:s12] =	ssyncset.done $0x0  }
0x81: {  	[sflag:s12] =	ssyncadd.s32 $0xFFFFF000  }
0x82: {  	[tilespmem:s6], [sflag:$0x6] =	stream.indirect.gather [hbm4b:s3+s29], $0x20, s31, s29, $0xb8;
	[tilespmem:$0x2200] =	vst v63  }
0x83: {  	_ =	swait.ge [sflag:s7], $0x1000  }
0x84: {  	[sflag:s7] =	ssyncset.done $0x0  }
0x85: {  	s26 =	sadd.s32 $0x0, s24;
	[sflag:s7] =	ssyncadd.s32 $0xFFFFF000  }
0x86: {  	[hbm4b:s26+s2] =	stream.linear.scatter [tilespmem:s0], [sflag:$0x7], $0x1000, $0x38;
	[tilespmem:$0x2200] =	vst v63  }
0x87: {  	_ = 	snop  }
0x88: {  	[tilespmem:s30], [sflag:$0x3] =	stream.linear.gather [hbm4b:s21+s2], $0x80, $0x38;
	[tilespmem:$0x2200] =	vst v63  }
0x89: {  	_ =	swait.ge [sflag:s1], $0x80  }
0x8a: {  	[sflag:s1] =	ssyncset.done $0x0  }
0x8b: {  	[sflag:s1] =	ssyncadd.s32 $0xFFFFFF80  }
0x8c: {  	_ =	swait.ge [sflag:s9], $0x1000  }
0x8d: {  	[sflag:s9] =	ssyncset.done $0x0  }
0x8e: {  	s28 =	sadd.s32 $0x0, s20;
	[sflag:s9] =	ssyncadd.s32 $0xFFFFF000  }
0x8f: {  	[tilespmem:s0], [sflag:$0x5] =	stream.indirect.gather [hbm4b:s3+s29], $0x20, s2, s29, $0xb8;
	[tilespmem:$0x2200] =	vst v63  }
0x90: {  	s15 =	sadd.s32 $0x40, s23;
	s16 =	sadd.s32 $0x40, s4;
	_ =	swait.ge [sflag:s10], $0x1000  }
0x91: {  	s17 =	sadd.s32 $0x40, s21;
	s18 =	sadd.s32 $0x40, s22;
	[sflag:s10] =	ssyncset.done $0x0  }
0x92: {  	s14 =	simm.s32 $0x800;
	s19 =	smov.u32 s4;
	[sflag:s10] =	ssyncadd.s32 $0xFFFFF000  }
0x93: {  	[hbm4b:s28+s2] =	stream.linear.scatter [tilespmem:s6], [sflag:$0x8], $0x1000, $0x38;
	[tilespmem:$0x2200] =	vst v63  }
.LBB2_2:
0x94: {  	[tilespmem:s31], [sflag:$0x4] =	stream.linear.gather [hbm4b:s19+s2], $0x80, $0x38;
	[tilespmem:$0x2200] =	vst v63  }
0x95: {  	_ =	swait.ge [sflag:s5], $0x80  }
0x96: {  	[sflag:s5] =	ssyncset.done $0x0  }
0x97: {  	[sflag:s5] =	ssyncadd.s32 $0xFFFFFF80  }
0x98: {  	_ =	swait.ge [sflag:s12], $0x1000  }
0x99: {  	[sflag:s12] =	ssyncset.done $0x0  }
0x9a: {  	[sflag:s12] =	ssyncadd.s32 $0xFFFFF000  }
0x9b: {  	[tilespmem:s6], [sflag:$0x6] =	stream.indirect.gather [hbm4b:s3+s29], $0x20, s29, s29, $0xb8;
	[tilespmem:$0x2200] =	vst v63  }
0x9c: {  	_ =	swait.ge [sflag:s7], $0x1000  }
0x9d: {  	s26 =	smov.u32 s14;
	s28 =	rddreg [dreg:$0x3];
	[sflag:s7] =	ssyncset.done $0x0  }
0x9e: {  	[sflag:s7] =	ssyncadd.s32 $0xFFFFF000;
	s28 =	sadd.s32 s26, s28  }
0x9f: {  	[hbm4b:s28+s2] =	stream.linear.scatter [tilespmem:s0], [sflag:$0x7], $0x1000, $0x38;
	[tilespmem:$0x2200] =	vst v63  }
0xa0: {  	_ = 	snop  }
0xa1: {  	[tilespmem:s2], [sflag:$0x1] =	stream.linear.gather [hbm4b:s15+s2], $0x80, $0x38;
	[tilespmem:$0x2200] =	vst v63  }
0xa2: {  	_ =	swait.ge [sflag:s8], $0x80  }
0xa3: {  	[sflag:s8] =	ssyncset.done $0x0  }
0xa4: {  	[sflag:s8] =	ssyncadd.s32 $0xFFFFFF80  }
0xa5: {  	_ =	swait.ge [sflag:s9], $0x1000  }
0xa6: {  	[sflag:s9] =	ssyncset.done $0x0  }
0xa7: {  	[sflag:s9] =	ssyncadd.s32 $0xFFFFF000  }
0xa8: {  	[tilespmem:s0], [sflag:$0x5] =	stream.indirect.gather [hbm4b:s3+s29], $0x20, s30, s29, $0xb8;
	[tilespmem:$0x2200] =	vst v63  }
0xa9: {  	_ =	swait.ge [sflag:s10], $0x1000  }
0xaa: {  	[sflag:s10] =	ssyncset.done $0x0  }
0xab: {  	s28 =	sadd.s32 s26, s25;
	[sflag:s10] =	ssyncadd.s32 $0xFFFFF000  }
0xac: {  	[hbm4b:s28+s2] =	stream.linear.scatter [tilespmem:s6], [sflag:$0x8], $0x1000, $0x38;
	[tilespmem:$0x2200] =	vst v63  }
0xad: {  	_ = 	snop  }
0xae: {  	[tilespmem:s29], [sflag:$0x2] =	stream.linear.gather [hbm4b:s18+s2], $0x80, $0x38;
	[tilespmem:$0x2200] =	vst v63  }
0xaf: {  	_ =	swait.ge [sflag:s11], $0x80  }
0xb0: {  	[sflag:s11] =	ssyncset.done $0x0  }
0xb1: {  	[sflag:s11] =	ssyncadd.s32 $0xFFFFFF80  }
0xb2: {  	_ =	swait.ge [sflag:s12], $0x1000  }
0xb3: {  	[sflag:s12] =	ssyncset.done $0x0  }
0xb4: {  	[sflag:s12] =	ssyncadd.s32 $0xFFFFF000  }
0xb5: {  	[tilespmem:s6], [sflag:$0x6] =	stream.indirect.gather [hbm4b:s3+s29], $0x20, s31, s29, $0xb8;
	[tilespmem:$0x2200] =	vst v63  }
0xb6: {  	_ =	swait.ge [sflag:s7], $0x1000  }
0xb7: {  	[sflag:s7] =	ssyncset.done $0x0  }
0xb8: {  	s28 =	sadd.s32 s26, s24;
	[sflag:s7] =	ssyncadd.s32 $0xFFFFF000  }
0xb9: {  	[hbm4b:s28+s2] =	stream.linear.scatter [tilespmem:s0], [sflag:$0x7], $0x1000, $0x38;
	[tilespmem:$0x2200] =	vst v63  }
0xba: {  	_ = 	snop  }
0xbb: {  	[tilespmem:s30], [sflag:$0x3] =	stream.linear.gather [hbm4b:s17+s2], $0x80, $0x38;
	[tilespmem:$0x2200] =	vst v63  }
0xbc: {  	_ =	swait.ge [sflag:s1], $0x80  }
0xbd: {  	[sflag:s1] =	ssyncset.done $0x0  }
0xbe: {  	[sflag:s1] =	ssyncadd.s32 $0xFFFFFF80  }
0xbf: {  	_ =	swait.ge [sflag:s9], $0x1000  }
0xc0: {  	[sflag:s9] =	ssyncset.done $0x0  }
0xc1: {  	p0 =	sne.s32 s14, $0xB800;
	[sflag:s9] =	ssyncadd.s32 $0xFFFFF000  }
0xc2: {  	[tilespmem:s0], [sflag:$0x5] =	stream.indirect.gather [hbm4b:s3+s29], $0x20, s2, s29, $0xb8;
	[tilespmem:$0x2200] =	vst v63  }
.Ltmp0:
0xc3: {  	s19 =	smov.u32 s16;
	(pc) =	sbr.rel @p0 .LBB2_2-.Ltmp0, $4  }
0xc4: {  	s14 =	sadd.s32 $0x800, s14;
	s16 =	sadd.s32 $0x40, s16;
	_ =	swait.ge [sflag:s10], $0x1000  }
0xc5: {  	s15 =	sadd.s32 $0x40, s15;
	s26 =	sadd.s32 s26, s20;
	[sflag:s10] =	ssyncset.done $0x0  }
0xc6: {  	s18 =	sadd.s32 $0x40, s18;
	s17 =	sadd.s32 $0x40, s17;
	[sflag:s10] =	ssyncadd.s32 $0xFFFFF000  }
0xc7: {  	[hbm4b:s26+s2] =	stream.linear.scatter [tilespmem:s6], [sflag:$0x8], $0x1000, $0x38;
	[tilespmem:$0x2200] =	vst v63  }
0xc8: {  	[tilespmem:s31], [sflag:$0x4] =	stream.linear.gather [hbm4b:s19+s2], $0x80, $0x38;
	[tilespmem:$0x2200] =	vst v63  }
0xc9: {  	_ =	swait.ge [sflag:s5], $0x80  }
0xca: {  	[sflag:s5] =	ssyncset.done $0x0  }
0xcb: {  	[sflag:s5] =	ssyncadd.s32 $0xFFFFFF80  }
0xcc: {  	_ =	swait.ge [sflag:s12], $0x1000  }
0xcd: {  	[sflag:s12] =	ssyncset.done $0x0  }
0xce: {  	[sflag:s12] =	ssyncadd.s32 $0xFFFFF000  }
0xcf: {  	[tilespmem:s6], [sflag:$0x6] =	stream.indirect.gather [hbm4b:s3+s29], $0x20, s29, s29, $0xb8;
	[tilespmem:$0x2200] =	vst v63  }
0xd0: {  	_ =	swait.ge [sflag:s7], $0x1000  }
0xd1: {  	[sflag:s7] =	ssyncset.done $0x0  }
0xd2: {  	s14 =	rddreg [dreg:$0xe];
	[sflag:s7] =	ssyncadd.s32 $0xFFFFF000  }
0xd3: {  	[hbm4b:s14+s2] =	stream.linear.scatter [tilespmem:s0], [sflag:$0x7], $0x1000, $0x38;
	[tilespmem:$0x2200] =	vst v63  }
0xd4: {  	_ =	swait.ge [sflag:s8], $0x80  }
0xd5: {  	[sflag:s8] =	ssyncset.done $0x0  }
0xd6: {  	[sflag:s8] =	ssyncadd.s32 $0xFFFFFF80  }
0xd7: {  	_ =	swait.ge [sflag:s9], $0x1000  }
0xd8: {  	[sflag:s9] =	ssyncset.done $0x0  }
0xd9: {  	[sflag:s9] =	ssyncadd.s32 $0xFFFFF000  }
0xda: {  	[tilespmem:s0], [sflag:$0x5] =	stream.indirect.gather [hbm4b:s3+s29], $0x20, s30, s29, $0xb8;
	[tilespmem:$0x2200] =	vst v63  }
0xdb: {  	_ =	swait.ge [sflag:s10], $0x1000  }
0xdc: {  	[sflag:s10] =	ssyncset.done $0x0  }
0xdd: {  	s18 =	rddreg [dreg:$0xf];
	[sflag:s10] =	ssyncadd.s32 $0xFFFFF000  }
0xde: {  	[hbm4b:s18+s2] =	stream.linear.scatter [tilespmem:s6], [sflag:$0x8], $0x1000, $0x38;
	[tilespmem:$0x2200] =	vst v63  }
0xdf: {  	_ =	swait.ge [sflag:s11], $0x80  }
0xe0: {  	[sflag:s11] =	ssyncset.done $0x0  }
0xe1: {  	[sflag:s11] =	ssyncadd.s32 $0xFFFFFF80  }
0xe2: {  	_ =	swait.ge [sflag:s12], $0x1000  }
0xe3: {  	[sflag:s12] =	ssyncset.done $0x0  }
0xe4: {  	[sflag:s12] =	ssyncadd.s32 $0xFFFFF000  }
0xe5: {  	[tilespmem:s6], [sflag:$0x6] =	stream.indirect.gather [hbm4b:s3+s29], $0x20, s31, s29, $0xb8;
	[tilespmem:$0x2200] =	vst v63  }
0xe6: {  	_ =	swait.ge [sflag:s7], $0x1000  }
0xe7: {  	[sflag:s7] =	ssyncset.done $0x0  }
0xe8: {  	s19 =	rddreg [dreg:$0x10];
	[sflag:s7] =	ssyncadd.s32 $0xFFFFF000  }
0xe9: {  	[hbm4b:s19+s2] =	stream.linear.scatter [tilespmem:s0], [sflag:$0x7], $0x1000, $0x38;
	[tilespmem:$0x2200] =	vst v63  }
0xea: {  	_ =	swait.ge [sflag:s10], $0x1000  }
0xeb: {  	[sflag:s10] =	ssyncset.done $0x0  }
0xec: {  	s26 =	rddreg [dreg:$0x11];
	[sflag:s10] =	ssyncadd.s32 $0xFFFFF000  }
0xed: {  	[hbm4b:s26+s2] =	stream.linear.scatter [tilespmem:s6], [sflag:$0x8], $0x1000, $0x38;
	[tilespmem:$0x2200] =	vst v63  }
0xee: {  	_ =	swait.ge [sflag:s9], $0x1000  }
0xef: {  	[sflag:s9] =	ssyncset.done $0x0  }
0xf0: {  	[sflag:s9] =	ssyncadd.s32 $0xFFFFF000  }
0xf1: {  	_ =	swait.ge [sflag:s12], $0x1000  }
0xf2: {  	s13 =	sadd.s32 $0x1, s13;
	s28 =	rddreg [dreg:$0x12]  }
0xf3: {  	p0 =	sne.s32 s13, s28  }
.Ltmp1:
0xf4: {  	_ = 	snop;
	(pc) =	sbr.rel @p0 .LBB2_1-.Ltmp1, $3  }
0xf5: {  	_ =	sdelay $0x1  }
0xf6: {  	[sflag:s12] =	ssyncset.done $0x0  }
0xf7: {  	[sflag:s12] =	ssyncadd.s32 $0xFFFFF000  }
0xf8: {  	_ =	sfence.sel $0x180000  }
0xf9: {  	[bflag:$0x0] =	sbarrier.arrive $0xFFFF  }
0xfa: {  	_ =	strace $0x90000047  }
0xfb: {  	s0 =	stileid.u32;
	[bflag:$0x2] =	sbarrier.arrive $0xFFFF  }
0xfc: {  	p0 =	sne.s32 s0, $0x0;
	s0 =	rddreg [dreg:$0x2]  }
0xfd: {  	s0 =	sadd.s32 @!p0 $0x100000, s0  }
0xfe: {  	[sflag:s0] =	ssyncadd.tile.s32 @!p0 $0x1;
	_ =	shalt  }
.Lfunc_end2:
_tile_overlayer_lowered:
.L_overlay_start_2:
0xff: {  	(tag) =	ssettag $0x2  }
0x100: {  	s0 =	rddreg [dreg:$0x0];
	s2 =	stileid.u32  }
0x101: {  	s1 =	rddreg [dreg:$0x1];
	p0 =	sne.s32 s2, $0x0  }
0x102: {  	s3 =	rddreg [dreg:$0x2];
	[bflag:$0x3] =	sbarrier.arrive $0xFFFF;
	s2 =	simm.s32 @!p0 $0x1C09  }
0x103: {  	[timem:s3], [sflag:s2] =	dma.local @!p0 [hbm:s0], s1  }
0x104: {  	s0 =	simm.s32 @!p0 $0x9  }
0x105: {  	_ =	swait.ge @!p0 [sflag:s0], s1  }
0x106: {  	s1 =	ssub.s32 @!p0 $0x0, s1;
	[sflag:s0] =	ssyncset.done @!p0 $0x0  }
0x107: {  	[sflag:s0] =	ssyncadd.s32 @!p0 s1  }
0x108: {  	[bflag:$0x3] =	sbarrier.arrive $0xFFFF  }
0x109: {  	_ =	shalt  }

// kernel: sparse-core-data-format-call.cloned.1.call-start
scs
called_computation_lowered:
.L_overlay_start_0:
0x0: {  	s2 =	sld [smem:$0x3FD9]  }
0x1: {  	s3 =	sld [smem:$0x3FFE];
	_ =	sdelay $0x1  }
0x2: {  	s1 =	srdreg.scid  }
0x3: {  	s0 =	sand.u32 $0x1, s1  }
0x4: {  	s18 =	sshll.u32 s0, $0xA;
	s2 =	sadd.s32 s3, s2  }
0x5: {  	s2 =	sadd.s32 s2, s18  }
0x6: {  	[smem:$0x3FC6] =	sst s2  }
0x7: {  	_ = 	snop  }
0x8: {  	s2 =	sld [smem:$0x3FD0];
	(tm) =	ssettm $0x1  }
0x9: {  	s19 =	sld [smem:$0x3FFB];
	_ =	sdelay $0x3  }
0xa: {  	_ =	strace s19  }
0xb: {  	s3 =	sld [smem:$0x3FFC];
	_ =	sdelay $0x3  }
0xc: {  	_ =	strace s3  }
0xd: {  	s3 =	sld [smem:$0x3FFD];
	_ =	sdelay $0x3  }
0xe: {  	_ =	strace s3  }
0xf: {  	_ =	strace $0x8FFFFFFF  }
0x10: {  	s20 =	sld [smem:$0x3FDB];
	_ =	sdelay $0x1  }
0x11: {  	s4 =	simm.s32 $_scs_section_size  }
0x12: {  	s5 =	simm.s32 $_size__tile_overlayer_lowered;
	s6 =	simm.s32 $_tile_overlayer_lowered  }
0x13: {  	s23 =	simm.s32 $0x1BFF;
	s22 =	sshll.u32 s6, $0x1;
	s3 =	sadd.s32 s4, s20  }
0x14: {  	s7 =	simm.s32 $0x0;
	s21 =	sshll.u32 s5, $0x1;
	s5 =	sadd.s32 s22, s3  }
0x15: {  	[timem:s7], [sflag:s23] =	dma.local [hbm:s5], s21  }
0x16: {  	_ =	swait.ge [sflag:s23], s21  }
0x17: {  	s4 =	ssub.s32 $0x0, s21;
	[sflag:s23] =	ssyncset.done $0x0  }
0x18: {  	[sflag:s23] =	ssyncadd.s32 s4;
	_ =	sdelay $0x1  }
0x19: {  	s24 =	simm.s32 $0x1B8B  }
0x1a: {  	_ =	swait.ge [sflag:s24], $0x1  }
0x1b: {  	[sflag:s24] =	ssyncset.done $0x0  }
0x1c: {  	s26 =	simm.s32 $0x1B8E;
	s25 =	sld [smem:$0x3FFE];
	[sflag:s24] =	ssyncadd.s32 $0xFFFFFFFF  }
0x1d: {  	s27 =	simm.s32 $execute0_lowered;
	[smem:$0x3FD2] =	sst s26  }
0x1e: {  	s5 =	sshll.u32 s27, $0x1;
	_ =	strace $0x80000049;
	[dreg:$0x1] =	wrdreg $0xFFFFFFFF  }
0x1f: {  	s28 =	simm.s32 $_size_execute0_lowered;
	s3 =	sadd.s32 s3, s5;
	[dreg:$0x0] =	wrdreg $0x0  }
0x20: {  	s5 =	sshll.u32 s28, $0x1;
	[dreg:$0x2] =	wrdreg s3  }
0x21: {  	[dreg:$0x3] =	wrdreg s5  }
0x22: {  	[dreg:$0x4] =	wrdreg $0xC0  }
0x23: {  	_ =	task [dreg:s7], $0x5FFFF  }
0x24: {  	[dreg:$0x1] =	wrdreg $0xFFFFFFFF  }
0x25: {  	[dreg:$0x0] =	wrdreg $0x60  }
0x26: {  	[dreg:$0x2] =	wrdreg s25  }
0x27: {  	[dreg:$0x3] =	wrdreg s2  }
0x28: {  	[dreg:$0x4] =	wrdreg $0x9  }
0x29: {  	_ =	task.clear_ibuf [dreg:s7], $0x5FFFF;
	_ =	strace $0x90000049  }
0x2a: {  	s29 =	simm.s32 $0x9;
	_ =	strace $0x8000004B  }
0x2b: {  	_ =	swait.ge [sflag:s29], $0x1  }
0x2c: {  	[sflag:s29] =	ssyncadd.s32 $0xFFFFFFFF  }
0x2d: {  	_ =	strace $0x9000004B  }
0x2e: {  	_ =	sfence  }
0x2f: {  	s30 =	sld [smem:$0x0];
	_ =	sdelay $0x2  }
0x30: {  	s31 =	sshll.u32 s1, $0xD;
	s1 =	sshrl.u32 s1, $0x2  }
0x31: {  	s3 =	sand.u32 $0x4000, s31;
	s1 =	sadd.s32 s1, s30  }
0x32: {  	s0 =	sor.u32 s3, s0;
	s1 =	sshll.u32 s1, $0x11  }
0x33: {  	s0 =	sor.u32 s1, s0  }
0x34: {  	s0 =	sadd.s32 $0x8F2B, s0  }
0x35: {  	[sflag:s0] =	ssyncadd.remote.s32 $0x1  }
0x36: {  	_ =	sfence.sel $0xFFFF  }
0x37: {  	[dreg:$0x0] =	wrdreg $0xFFFFFFFF;
	(pc) =	sbr.abs _section_cstart, $3  }
0x38: {  	[dreg:$0x1] =	wrdreg $0xFFFFFFFF  }
0x39: {  	_ =	task.clear_ibuf [dreg:s7], $0x2FFFF;
	_ =	strace $0x9FFFFFFF  }
0x3a: {  	(tm) =	ssettm $0x7FFFFFFF  }
0x3b: {  	_ =	shalt  }
tec
execute0_lowered:
.L_overlay_start_1:
0x0: {  	(tag) =	ssettag $0x1  }
0x1: {  	s4 =	rddreg [dreg:$0x0]  }
0x2: {  	s0 =	stileid.u32;
	s2 =	rddreg [dreg:$0x1]  }
0x3: {  	s7 =	srdreg.scid;
	s8 =	simm.s32 $0x2;
	s17 =	simm.s32 $0x0  }
0x4: {  	s9 =	simm.s32 $0x2000;
	s19 =	simm.s32 $0x0;
	s18 =	simm.s32 $0x0  }
0x5: {  	s10 =	simm.s32 $0x0;
	s11 =	simm.s32 $0x0;
	s1 =	sshll.u32 s0, $0x7  }
0x6: {  	s12 =	simm.s32 $0x0;
	s13 =	simm.s32 $0x0;
	s3 =	sand.u32 $0x380, s1  }
0x7: {  	s16 =	simm.s32 $0x0;
	s7 =	sshll.u32 s7, $0x4;
	s5 =	ssub.s32 $0x400, s3  }
0x8: {  	s4 =	sadd.s32 $0xC00, s4;
	s1 =	rddreg [dreg:$0x2];
	s6 =	sand.u32 $0x380, s5  }
0x9: {  	s7 =	sand.u32 $0x10, s7;
	p0 =	sne.s32 s6, $0x0;
	s6 =	simm.s32 $0x1  }
.Ltmp0:
0xa: {  	s5 =	sshrl.u32 s5, $0xA;
	s6 =	simm.s32 @!p0 $0x0;
	(pc) =	sbr.rel .LBB1_1-.Ltmp0, $4  }
0xb: {  	_ =	strace $0x8000004A;
	s7 =	sor.u32 s0, s7;
	s6 =	sadd.s32 s6, s5  }
0xc: {  	s7 =	sshrl.u32 s7, $0x3;
	s5 =	simm.s32 $0x1;
	s6 =	smul.u32 $0x1C, s6  }
0xd: {  	s15 =	smov.u32 s3;
	s14 =	smov.u32 s7;
	[sflag:s5] =	ssyncpa.u1 $0x0  }
0xe: {  	p0 =	por $0x0, $0x0;
	[sflag:s8] =	ssyncpa.u1 $0x0;
	s8 =	sor.u32 $0x1, s6  }
.LBB1_4:
0xf: {  	s25 =	sshll.u32 s10, $0xA;
	s24 =	sshra.s32 s24, $0x2;
	s26 =	sshll.u32 s12, $0x3  }
0x10: {  	p1 =	sgt.s32 s11, $0xF;
	s27 =	smov.u32 s11;
	s28 =	sshra.s32 s11, $0x1F  }
0x11: {  	p2 =	sgt.s32 s12, $0x380;
	s31 =	sshra.s32 s12, $0x1F;
	s25 =	sand.u32 $0xFFFFE000, s25  }
0x12: {  	s26 =	sand.u32 $0xFFFFFC00, s26;
	s27 =	simm.s32 @!p1 $0xF;
	s28 =	sand.u32 s28, s11  }
0x13: {  	[tilespmem:s22+$0x2040 ss:$0x81] =	vst.msk $0xffff, v4;
	s23 =	sadd.s32 s24, s23;
	s29 =	sadd.s32 s26, s25;
	s25 =	ssub.s32 s27, s28  }
0x14: {  	[tilespmem:s22+$0x2850 ss:$0x81] =	vst.msk $0xffff, v3;
	s27 =	smov.u32 s12;
	s28 =	smov.u32 s10;
	s26 =	sand.u32 s31, s12  }
0x15: {  	[tilespmem:s22+$0x3060 ss:$0x81] =	vst.msk $0xffff, v2;
	s24 =	sshrl.u32 s29, $0xA;
	s30 =	sadd.s32 $0xFFFFFFF1, s25;
	s27 =	simm.s32 @!p2 $0x380  }
0x16: {  	v5 =	vld [tilespmem:s21+$0xFFFFFFD0];
	[tilespmem:s22+$0x0 ss:$0x81] =	vst.msk $0xffff, v1;
	p2 =	sgt.s32 s10, $0x2C0;
	s29 =	sshra.s32 s10, $0x1F;
	s22 =	ssub.s32 $0x10, s25  }
0x17: {  	v58 =	vld [tilespmem:s21+$0xFFFFFFE0];
	p1 =	sgt.s32 s30, $0x0;
	s28 =	simm.s32 @!p2 $0x2C0;
	s29 =	sand.u32 s29, s10  }
0x18: {  	v59 =	vld [tilespmem:s21+$0xFFFFFFF0];
	s26 =	ssub.s32 s27, s26;
	s27 =	smulhi.u32 $0x4EC4ED, s24;
	s28 =	ssub.s32 s28, s29  }
0x19: {  	v60 =	vld [tilespmem:s21+$0x0];
	s30 =	sadd.s32 $0xFFFFFC80, s26;
	s25 =	ssub.s32 $0x400, s26;
	s22 =	simm.s32 @p1 $0x0  }
0x1a: {  	v61 =	vld [tilespmem:s21+$0x10];
	[tilespmem:s23+$0x3870 ss:$0x81] =	vst.msk $0xffff, v0;
	s29 =	sand.u32 $0x78, s12;
	p2 =	sgt.s32 s30, $0x7F;
	s31 =	sadd.s32 $0xFFFFFD40, s28  }
0x1b: {  	v62 =	vld [tilespmem:s21+$0x20];
	[tilespmem:s23+$0x810 ss:$0x81] =	vst.msk $0xffff, v5;
	s27 =	smul.u32 $0x340, s27;
	s30 =	sshll.u32 s10, $0x7;
	s28 =	ssub.s32 $0x340, s28  }
0x1c: {  	v63 =	vld [tilespmem:s21+$0xFFFFFFC0];
	[tilespmem:s23+$0x1020 ss:$0x81] =	vst.msk $0xffff, v58;
	s25 =	simm.s32 @p2 $0x0;
	p1 =	sgt.s32 s31, $0x7F;
	s31 =	smul.u32 $0x1A000, s11  }
0x1d: {  	[tilespmem:s23+$0x1830 ss:$0x81] =	vst.msk $0xffff, v59;
	s21 =	sand.u32 $0x380, s30;
	s22 =	smul.u32 s25, s22;
	s28 =	simm.s32 @p1 $0x0  }
0x1e: {  	[tilespmem:s23+$0x2040 ss:$0x81] =	vst.msk $0xffff, v60;
	s21 =	sor.u32 s29, s21;
	s24 =	ssub.s32 s24, s27;
	s29 =	sand.u32 $0x7, s12  }
0x1f: {  	[tilespmem:s23+$0x2850 ss:$0x81] =	vst.msk $0xffff, v61;
	s21 =	sshrl.u32 s21, $0x3;
	s25 =	sadd.s32 s2, s31;
	s22 =	smul.u32 s28, s22  }
0x20: {  	[tilespmem:s23+$0x3060 ss:$0x81] =	vst.msk $0xffff, v62;
	s24 =	sshll.u32 s24, $0x7;
	s30 =	sshll.u32 s29, $0x12;
	s21 =	sadd.s32 s21, s25  }
0x21: {  	[tilespmem:s23+$0x0 ss:$0x81] =	vst.msk $0xffff, v63;
	s31 =	sor.u32 $0x400, s30;
	s21 =	sadd.s32 s24, s21;
	s22 =	sand.u32 $0x3FFFFFFF, s22  }
0x22: {  	[hbm4b:s21+s31] =	stream.strided.scatter [tilespmem:s20], [sflag:$0x2], s22, s9, s31, $0x20;
	[tilespmem:$0x10100] =	vst v63  }
.LBB1_5:
0x23: {  	p1 =	slt.u32 s16, $0x2  }
0x24: {  	p2 =	sgt.s32 @!p1 s19, $0xF  }
0x25: {  	s20 =	smov.u32 s19;
	s21 =	sshra.s32 @!p1 s19, $0x1F;
	p2 =	por !p2, p1  }
0x26: {  	s19 =	sand.u32 @!p1 s21, s19;
	s20 =	simm.s32 @p2 $0xF  }
0x27: {  	p3 =	sgt.s32 @!p1 s18, $0x380;
	s19 =	ssub.s32 @!p1 s20, s19  }
0x28: {  	p3 =	por !p3, p1;
	s21 =	sshra.s32 @!p1 s18, $0x1F;
	s20 =	sadd.s32 @!p1 $0xFFFFFFF1, s19  }
0x29: {  	s19 =	ssub.s32 @!p1 $0x10, s19;
	p2 =	sgt.s32 @!p1 s20, $0x0;
	s20 =	smov.u32 s18  }
0x2a: {  	s18 =	sand.u32 @!p1 s21, s18;
	s20 =	simm.s32 @p3 $0x380;
	p3 =	sgt.s32 @!p1 s17, $0x2C0  }
0x2b: {  	s21 =	smov.u32 s17;
	p2 =	por !p2, p1;
	p3 =	por !p3, p1  }
0x2c: {  	s18 =	ssub.s32 @!p1 s20, s18;
	s20 =	sshra.s32 @!p1 s17, $0x1F;
	s19 =	simm.s32 @!p2 $0x0  }
0x2d: {  	s21 =	simm.s32 @p3 $0x2C0;
	s17 =	sand.u32 @!p1 s20, s17;
	s20 =	sadd.s32 @!p1 $0xFFFFFC80, s18  }
0x2e: {  	s18 =	ssub.s32 @!p1 $0x400, s18;
	s17 =	ssub.s32 @!p1 s21, s17;
	p2 =	sgt.s32 @!p1 s20, $0x7F  }
0x2f: {  	s21 =	smov.u32 s14;
	s20 =	sadd.s32 @!p1 $0xFFFFFD40, s17;
	p2 =	por !p2, p1  }
0x30: {  	s17 =	ssub.s32 @!p1 $0x340, s17;
	p3 =	sgt.s32 @!p1 s20, $0x7F;
	s18 =	simm.s32 @!p2 $0x0  }
0x31: {  	s20 =	sadd.s32 $0x80, s13;
	p2 =	por !p3, p1;
	s18 =	smul.u32 @!p1 s18, s19  }
0x32: {  	s19 =	sadd.s32 $0x4, s14;
	s17 =	simm.s32 @!p2 $0x0;
	p2 =	sgt.s32 s20, $0x33F  }
0x33: {  	s22 =	smov.u32 s15;
	s21 =	smov.u32 @p2 s19  }
0x34: {  	s17 =	smul.u32 @!p1 s17, s18;
	s18 =	sadd.s32 $0x400, s15;
	p3 =	sgt.s32 s21, $0xF  }
0x35: {  	p0 =	por !p0, !p0;
	s23 =	simm.s32 @!p1 $0x2;
	s22 =	smov.u32 @p3 s18  }
0x36: {  	s20 =	simm.s32 @p2 $0x0;
	s19 =	smov.u32 s11;
	p2 =	sgt.s32 s22, $0x3FF  }
0x37: {  	s11 =	smov.u32 s14;
	s22 =	smov.u32 @p2 s3;
	p2 =	sne.s32 s16, s8  }
.Ltmp1:
0x38: {  	s17 =	sand.u32 @!p1 $0x3FFFFFFF, s17;
	s21 =	smov.u32 @p3 s7;
	(pc) =	sbr.rel @!p2 .LBB1_6-.Ltmp1, $4  }
0x39: {  	s18 =	smov.u32 s12;
	s12 =	smov.u32 s15;
	_ =	swait.ge @!p1 [sflag:s23], s17  }
0x3a: {  	s24 =	ssub.s32 @!p1 $0x0, s17;
	s17 =	smov.u32 s10;
	s10 =	smov.u32 s13  }
0x3b: {  	s13 =	smov.u32 s20;
	s14 =	smov.u32 s21;
	[sflag:s23] =	ssyncset.done @!p1 $0x0  }
0x3c: {  	s16 =	sadd.s32 $0x1, s16;
	[sflag:s23] =	ssyncadd.s32 @!p1 s24;
	s15 =	smov.u32 s22  }
.LBB1_1:
0x3d: {  	p1 =	sge.u32 s16, s6  }
0x3e: {  	s20 =	sshrl.u32 @!p1 s14, $0x3  }
0x3f: {  	s21 =	sshll.u32 @!p1 s13, $0x3;
	s20 =	smul.u32 @!p1 $0x1C00, s20  }
0x40: {  	s22 =	sshll.u32 @!p1 s14, $0x7;
	s21 =	sand.u32 @!p1 $0xFFFFFC00, s21  }
0x41: {  	s20 =	sadd.s32 @!p1 s20, s21;
	s21 =	sand.u32 @!p1 $0x380, s22  }
0x42: {  	s20 =	sor.u32 @!p1 s21, s20  }
0x43: {  	s21 =	sshrl.u32 @!p1 s20, $0x7  }
0x44: {  	s21 =	smulhi.u32 @!p1 $0x24924925, s21  }
0x45: {  	s31 =	sadd.s32 $0xFFFFFFFF, s16  }
0x46: {  	s23 =	sand.u32 @!p1 $0x7F, s13;
	s22 =	sxor.u32 @!p1 $0xFFFFFFFF, s16;
	s24 =	smul.u32 @!p1 $0x380, s21  }
0x47: {  	s20 =	sor.u32 @!p1 s23, s20;
	s23 =	smul.u32 @!p1 $0x700, s15;
	s21 =	sand.u32 @!p1 $0xF, s21  }
0x48: {  	s22 =	sshll.u32 @!p1 s22, $0xE;
	s21 =	smul.u32 @!p1 $0x70, s21;
	s20 =	ssub.s32 @!p1 s20, s24  }
0x49: {  	s22 =	sand.u32 @!p1 $0x4000, s22;
	s23 =	sadd.s32 @!p1 s4, s23;
	s24 =	sand.u32 @!p1 $0x7, s20  }
0x4a: {  	s20 =	sshrl.u32 @!p1 s20, $0x3;
	s21 =	sadd.s32 @!p1 s21, s23;
	s23 =	sshll.u32 @!p1 s24, $0x12  }
0x4b: {  	s20 =	sadd.s32 @!p1 s20, s21;
	s21 =	sor.u32 @!p1 $0x80, s23;
	s23 =	simm.s32 @!p1 $0x3800  }
0x4c: {  	[tilespmem:s22], [sflag:$0x1] =	stream.strided.gather @!p1 [hbm4b:s20+s21], $0x4000, s23, s21, $0x38;
	[tilespmem:$0x10100] =	vst v63  }
0x4d: {  	p1 =	sge.u32 s31, s6  }
.Ltmp2:
0x4e: {  	_ = 	snop;
	(pc) =	sbr.rel @p1 .LBB1_5-.Ltmp2, $1  }
0x4f: {  	_ =	sdelay $0x3  }
0x50: {  	s20 =	simm.s32 $0x1  }
0x51: {  	_ =	swait.ge [sflag:s5], $0x4000;
	s20 =	simm.s32 @!p0 $0x0  }
0x52: {  	[sflag:s5] =	ssyncset.done $0x0;
	s21 =	sshll.u32 s20, $0xE  }
0x53: {  	[sflag:s5] =	ssyncadd.s32 $0xFFFFC000;
	s21 =	sor.u32 $0x40, s21  }
0x54: {  	s20 =	smul.u32 $0x10200, s20;
	v0 =	vld [tilespmem:s21+$0x30]  }
0x55: {  	v1 =	vld [tilespmem:s21+$0xFFFFFFD0]  }
0x56: {  	s20 =	sshrl.u32 s20, $0x2;
	v5 =	vld [tilespmem:s21+$0xFFFFFFE0]  }
0x57: {  	v6 =	vld [tilespmem:s21+$0xFFFFFFF0];
	s23 =	sor.u32 $0x8000, s20  }
0x58: {  	s31 =	sand.u32 $0x1, s16;
	v4 =	vld [tilespmem:s21+$0x0];
	s22 =	sadd.s32 $0x0, s23  }
0x59: {  	v3 =	vld [tilespmem:s21+$0x10];
	s20 =	smul.u32 $0x10200, s31;
	[tilespmem:s22+$0x3870 ss:$0x81] =	vst.msk $0xffff, v0  }
0x5a: {  	v2 =	vld [tilespmem:s21+$0x20];
	[tilespmem:s22+$0x810 ss:$0x81] =	vst.msk $0xffff, v1  }
0x5b: {  	s20 =	sshrl.u32 s20, $0x2;
	v1 =	vld [tilespmem:s21+$0xFFFFFFC0];
	[tilespmem:s22+$0x1020 ss:$0x81] =	vst.msk $0xffff, v5;
	s21 =	sadd.s32 $0x80, s21  }
0x5c: {  	s24 =	simm.s32 $0x4;
	s25 =	simm.s32 $0x8;
	s20 =	sor.u32 $0x8000, s20;
	[tilespmem:s22+$0x1830 ss:$0x81] =	vst.msk $0xffff, v6;
	v0 =	vld [tilespmem:s21+$0x30]  }
.LBB1_3:
0x5d: {  	p1 =	sne.s32 s25, $0x1FC;
	v5 =	vld [tilespmem:s21+$0xFFFFFFD0];
	[tilespmem:s22+$0x2040 ss:$0x81] =	vst.msk $0xffff, v4  }
0x5e: {  	v6 =	vld [tilespmem:s21+$0xFFFFFFE0];
	[tilespmem:s22+$0x2850 ss:$0x81] =	vst.msk $0xffff, v3  }
0x5f: {  	s26 =	sshra.s32 s24, $0x2;
	s24 =	smov.u32 s25;
	v7 =	vld [tilespmem:s21+$0xFFFFFFF0];
	[tilespmem:s22+$0x3060 ss:$0x81] =	vst.msk $0xffff, v2  }
.Ltmp3:
0x60: {  	v4 =	vld [tilespmem:s21+$0x0];
	[tilespmem:s22+$0x0 ss:$0x81] =	vst.msk $0xffff, v1;
	s22 =	sadd.s32 s26, s23;
	(pc) =	sbr.rel @p1 .LBB1_3-.Ltmp3, $4  }
0x61: {  	v3 =	vld [tilespmem:s21+$0x10];
	[tilespmem:s22+$0x3870 ss:$0x81] =	vst.msk $0xffff, v0  }
0x62: {  	[tilespmem:s22+$0x810 ss:$0x81] =	vst.msk $0xffff, v5;
	v2 =	vld [tilespmem:s21+$0x20]  }
0x63: {  	v1 =	vld [tilespmem:s21+$0xFFFFFFC0];
	[tilespmem:s22+$0x1020 ss:$0x81] =	vst.msk $0xffff, v6;
	s21 =	sadd.s32 $0x80, s21  }
0x64: {  	s25 =	sadd.s32 $0x4, s25;
	v0 =	vld [tilespmem:s21+$0x30];
	[tilespmem:s22+$0x1830 ss:$0x81] =	vst.msk $0xffff, v7  }
.Ltmp4:
0x65: {  	_ = 	snop;
	(pc) =	sbr.rel .LBB1_4-.Ltmp4, $1  }
0x66: {  	_ =	sdelay $0x3  }
.LBB1_6:
0x67: {  	_ =	sfence.sel $0x180000  }
0x68: {  	s2 =	simm.s32 $0x1;
	[bflag:$0x0] =	sbarrier.arrive $0xFFFF  }
0x69: {  	s31 =	simm.s32 $0x2;
	[sflag:s2] =	ssyncpa.u1 $0x1  }
0x6a: {  	[sflag:s31] =	ssyncpa.u1 $0x1  }
0x6b: {  	p0 =	sne.s32 s0, $0x0;
	_ =	strace $0x9000004A  }
0x6c: {  	s0 =	sadd.s32 @!p0 $0x100000, s1;
	[bflag:$0x2] =	sbarrier.arrive $0xFFFF  }
0x6d: {  	[sflag:s0] =	ssyncadd.tile.s32 @!p0 $0x1;
	_ =	shalt  }
.Lfunc_end1:
_tile_overlayer_lowered:
.L_overlay_start_2:
0x6e: {  	(tag) =	ssettag $0x2  }
0x6f: {  	s0 =	rddreg [dreg:$0x0];
	s2 =	stileid.u32  }
0x70: {  	s1 =	rddreg [dreg:$0x1];
	p0 =	sne.s32 s2, $0x0  }
0x71: {  	s3 =	rddreg [dreg:$0x2];
	[bflag:$0x3] =	sbarrier.arrive $0xFFFF;
	s2 =	simm.s32 @!p0 $0x1C01  }
0x72: {  	[timem:s3], [sflag:s2] =	dma.local @!p0 [hbm:s0], s1  }
0x73: {  	s0 =	simm.s32 @!p0 $0x1  }
0x74: {  	_ =	swait.ge @!p0 [sflag:s0], s1  }
0x75: {  	s1 =	ssub.s32 @!p0 $0x0, s1;
	[sflag:s0] =	ssyncset.done @!p0 $0x0  }
0x76: {  	[sflag:s0] =	ssyncadd.s32 @!p0 s1  }
0x77: {  	[bflag:$0x3] =	sbarrier.arrive $0xFFFF  }
0x78: {  	_ =	shalt  }

</sc_bundles>
